<compile_context>
chip_gen: v7x
topology: tpu7x:2x2x1
jax: 0.10.2.dev20260603
libtpu: 0.0.44.dev20260713+nightly
codegen_flags: <defaults>
</compile_context>

<pallas_src>
import functools
import jax
import jax.numpy as jnp
from jax import lax
from jax.experimental import pallas as pl
from jax.experimental.pallas import tpu as pltpu
from jax.experimental.pallas import tpu_sc as plsc

N_NODES = 100000
N_EDGES = 1600000
NW = 32
CHUNK = 512
SUB = 128
EPW = 51200
EPAD = EPW * NW
AGG_ROWS = 100096
ROWS_PER_SUB = AGG_ROWS // 16


def _edge_pass_body(x_hbm, sdp, ewp, wb_hbm, out_hbm,
                    sd_v, ew_v0, ew_v1, rows_v, wb_v, aggr_sh, gsem0,
                    gsem1, ssem0, ssem1):
    c = lax.axis_index("c")
    s = lax.axis_index("s")
    wid = s * 2 + c
    NCH = EPW // CHUNK
    NSUB = CHUNK // SUB

    pltpu.sync_copy(wb_hbm, wb_v)
    w_v = wb_v[0]
    b_v = wb_v[1]

    @plsc.parallel_loop(0, CHUNK, unroll=8)
    def _(e):
        rows_v[e] = jnp.zeros((16,), jnp.float32)
    zlo = s * ROWS_PER_SUB
    nfull = ROWS_PER_SUB // CHUNK
    for q in range(nfull):
        pltpu.sync_copy(rows_v.at[pl.ds(0, CHUNK)],
                        aggr_sh.at[pl.ds(zlo + q * CHUNK, CHUNK)])
    rem = ROWS_PER_SUB - nfull * CHUNK
    if rem:
        pltpu.sync_copy(rows_v.at[pl.ds(0, rem)],
                        aggr_sh.at[pl.ds(zlo + nfull * CHUNK, rem)])
    plsc.subcore_barrier()

    row0 = wid * (EPW // SUB)
    ews = (ew_v0, ew_v1)
    gsems = (gsem0, gsem1)
    ssems = (ssem0, ssem1)

    def fetch(t, pb):
        rbase = row0 + t * NSUB
        pltpu.sync_copy(sdp.at[pl.ds(rbase, NSUB)],
                        sd_v.at[pl.ds(pb * NSUB, NSUB)])
        pltpu.sync_copy(ewp.at[pl.ds(rbase * SUB, CHUNK)], ews[pb])
        for j in range(NSUB):
            pltpu.async_copy(
                x_hbm.at[sd_v.at[pb * NSUB + j, 0]],
                rows_v.at[pl.ds(pb * CHUNK + j * SUB, SUB)], gsems[pb])

    def drain_gather(pb):
        pltpu.make_async_copy(
            x_hbm.at[pl.ds(0, CHUNK)],
            rows_v.at[pl.ds(pb * CHUNK, CHUNK)], gsems[pb]).wait()

    def drain_scatter(pb):
        pltpu.make_async_copy(
            x_hbm.at[pl.ds(0, CHUNK)],
            rows_v.at[pl.ds(pb * CHUNK, CHUNK)], ssems[pb]).wait()

    fetch(0, 0)

    def chunk_body(t, _):
        pb0 = lax.rem(t, 2)

        @pl.when(t + 1 < NCH)
        def _():
            @pl.when(t >= 1)
            def _():
                for pb in range(2):
                    @pl.when(pb0 != pb)
                    def _():
                        drain_scatter(pb)
            for pb in range(2):
                @pl.when(pb0 != pb)
                def _():
                    fetch(t + 1, pb)

        for pb in range(2):
            @pl.when(pb0 == pb)
            def _():
                drain_gather(pb)

                @plsc.parallel_loop(0, CHUNK, unroll=8)
                def _(e):
                    s16 = plsc.load_gather(ews[pb], [jnp.full((16,), e, jnp.int32)])
                    m = jnp.maximum(rows_v[pb * CHUNK + e] + s16 * w_v + b_v, 0.0)
                    rows_v[pb * CHUNK + e] = m

                for j in range(NSUB):
                    pltpu.async_copy(
                        rows_v.at[pl.ds(pb * CHUNK + j * SUB, SUB)],
                        aggr_sh.at[sd_v.at[pb * NSUB + j, 1]], ssems[pb],
                        add=True)
        return 0

    lax.fori_loop(0, NCH, chunk_body, 0)
    drain_scatter((NCH - 2) % 2)
    drain_scatter((NCH - 1) % 2)
    plsc.subcore_barrier()

    pltpu.sync_copy(aggr_sh.at[pl.ds(zlo, ROWS_PER_SUB)],
                    out_hbm.at[c, pl.ds(zlo, ROWS_PER_SUB)])


@jax.jit
def _edge_pass(x16, sdp, ewp, wb):
    mesh = plsc.VectorSubcoreMesh(core_axis_name="c", subcore_axis_name="s")
    f = pl.kernel(
        _edge_pass_body,
        out_type=jax.ShapeDtypeStruct((2, AGG_ROWS, 16), jnp.float32),
        mesh=mesh,
        scratch_types=[
            pltpu.VMEM((2 * (CHUNK // SUB), 2, SUB), jnp.int32),
            pltpu.VMEM((CHUNK,), jnp.float32),
            pltpu.VMEM((CHUNK,), jnp.float32),
            pltpu.VMEM((2 * CHUNK, 16), jnp.float32),
            pltpu.VMEM((2, 16), jnp.float32),
            pltpu.VMEM_SHARED((AGG_ROWS, 16), jnp.float32),
            pltpu.SemaphoreType.DMA,
            pltpu.SemaphoreType.DMA,
            pltpu.SemaphoreType.DMA,
            pltpu.SemaphoreType.DMA,
        ],
        compiler_params=pltpu.CompilerParams(needs_layout_passes=False,
                                             use_tc_tiling_on_sc=False),
    )
    return f(x16, sdp, ewp, wb)



def _node_mlp16_kernel(x_ref, a0_ref, a1_ref, w1_ref, b1_ref, w2_ref, b2_ref,
                       s_ref, o_ref):
    eps1 = s_ref[0, 0]
    h = eps1 * x_ref[...] + a0_ref[...] + a1_ref[...]
    h = jnp.maximum(jnp.dot(h, w1_ref[...]) + b1_ref[0], 0.0)
    h = jnp.dot(h, w2_ref[...]) + b2_ref[0]
    h = jnp.maximum(h, 0.0)
    o_ref[...] = h * s_ref[1, :16][None, :] + s_ref[2, :16][None, :]


def _node_mlp16(x, a0, a1, w1, b1, w2, b2, scal):
    n = x.shape[0]
    blk = 4000
    grid = (n // blk,)
    return pl.pallas_call(
        _node_mlp16_kernel,
        grid=grid,
        in_specs=[
            pl.BlockSpec((blk, 16), lambda i: (i, 0)),
            pl.BlockSpec((blk, 16), lambda i: (i, 0)),
            pl.BlockSpec((blk, 16), lambda i: (i, 0)),
            pl.BlockSpec((16, 16), lambda i: (0, 0)),
            pl.BlockSpec((1, 16), lambda i: (0, 0)),
            pl.BlockSpec((16, 16), lambda i: (0, 0)),
            pl.BlockSpec((1, 16), lambda i: (0, 0)),
            pl.BlockSpec((3, 128), lambda i: (0, 0)),
        ],
        out_specs=pl.BlockSpec((blk, 16), lambda i: (i, 0)),
        out_shape=jax.ShapeDtypeStruct((n, 16), jnp.float32),
    )(x, a0, a1, w1, b1, w2, b2, scal)


def _node_mlp48_kernel(x_ref, a0_ref, a1_ref, a2_ref, a3_ref, a4_ref, a5_ref,
                       w1_ref, b1_ref, w2_ref, b2_ref, s_ref, o_ref):
    eps1 = s_ref[0, 0]
    parts = [(a0_ref, a1_ref), (a2_ref, a3_ref), (a4_ref, a5_ref)]
    acc = jnp.zeros((x_ref.shape[0], 16), jnp.float32)
    for fg in range(3):
        p0, p1 = parts[fg]
        hf = eps1 * x_ref[:, fg * 16:(fg + 1) * 16] + p0[...] + p1[...]
        acc = acc + jnp.dot(hf, w1_ref[fg * 16:(fg + 1) * 16, :])
    h = jnp.maximum(acc + b1_ref[0], 0.0)
    h = jnp.dot(h, w2_ref[...]) + b2_ref[0]
    h = jnp.maximum(h, 0.0)
    o_ref[...] = h * s_ref[1, :16][None, :] + s_ref[2, :16][None, :]


def _node_mlp48(x48, aparts, w1p, b1, w2, b2, scal):
    n = x48.shape[0]
    blk = 4000
    grid = (n // blk,)
    specs = [pl.BlockSpec((blk, 48), lambda i: (i, 0))]
    specs += [pl.BlockSpec((blk, 16), lambda i: (i, 0))] * 6
    specs += [
        pl.BlockSpec((48, 16), lambda i: (0, 0)),
        pl.BlockSpec((1, 16), lambda i: (0, 0)),
        pl.BlockSpec((16, 16), lambda i: (0, 0)),
        pl.BlockSpec((1, 16), lambda i: (0, 0)),
        pl.BlockSpec((3, 128), lambda i: (0, 0)),
    ]
    return pl.pallas_call(
        _node_mlp48_kernel,
        grid=grid,
        in_specs=specs,
        out_specs=pl.BlockSpec((blk, 16), lambda i: (i, 0)),
        out_shape=jax.ShapeDtypeStruct((n, 16), jnp.float32),
    )(x48, *aparts, w1p, b1, w2, b2, scal)



def _rna_conv_kernel(ids_ref, emb_ref, w2d_ref, b_ref, o_ref):
    L = ids_ref.shape[1]
    ids = ids_ref[0]
    iota = lax.broadcasted_iota(jnp.int32, (L, 128), 1)
    oh = (iota == ids).astype(jnp.float32)
    xg = jnp.dot(oh, emb_ref[...])
    zz = jnp.dot(w2d_ref[...], xg)
    y = b_ref[...]
    acc = jnp.zeros((32, 121), jnp.float32) + y
    for k in range(8):
        acc = acc + zz[k * 32:(k + 1) * 32, k:k + 121]
    o_ref[0] = acc


def _rna_conv(ids3d, embp, w2d, b):
    Bn, L, _ = ids3d.shape
    return pl.pallas_call(
        _rna_conv_kernel,
        grid=(Bn,),
        in_specs=[
            pl.BlockSpec((1, L, 1), lambda i: (i, 0, 0)),
            pl.BlockSpec((128, 128), lambda i: (0, 0)),
            pl.BlockSpec((256, L), lambda i: (0, 0)),
            pl.BlockSpec((32, 1), lambda i: (0, 0)),
        ],
        out_specs=pl.BlockSpec((1, 32, 121), lambda i: (i, 0, 0)),
        out_shape=jax.ShapeDtypeStruct((Bn, 32, 121), jnp.float32),
    )(ids3d, embp, w2d, b)


def _rna_fc_kernel(yg_ref, yl_ref, w_ref, b_ref, o_ref):
    s = (yg_ref[...] + yl_ref[...]) * 0.5
    o_ref[...] = jnp.dot(s, w_ref[...]) + b_ref[...]


def _rna_fc(yg, yl, w, b):
    Bn, K = yg.shape
    return pl.pallas_call(
        _rna_fc_kernel,
        in_specs=[
            pl.BlockSpec((Bn, K), lambda: (0, 0)),
            pl.BlockSpec((Bn, K), lambda: (0, 0)),
            pl.BlockSpec((K, 128), lambda: (0, 0)),
            pl.BlockSpec((1, 128), lambda: (0, 0)),
        ],
        out_specs=pl.BlockSpec((Bn, 128), lambda: (0, 0)),
        out_shape=jax.ShapeDtypeStruct((Bn, 128), jnp.float32),
    )(yg, yl, w, b)


def _pool_kernel(batch_ref, x_ref, sum_ref, cnt_ref):
    i = pl.program_id(0)

    @pl.when(i == 0)
    def _():
        sum_ref[...] = jnp.zeros_like(sum_ref)
        cnt_ref[...] = jnp.zeros_like(cnt_ref)

    b = batch_ref[0]
    iota = lax.broadcasted_iota(jnp.int32, (64, b.shape[1]), 0)
    oh = (iota == b).astype(jnp.float32)
    sum_ref[...] += jnp.dot(oh, x_ref[...])
    cnt_ref[...] += jnp.sum(oh, axis=1, keepdims=True)


def _pool(batch2d, xp):
    blk = 4000
    grid = (N_NODES // blk,)
    return pl.pallas_call(
        _pool_kernel,
        grid=grid,
        in_specs=[
            pl.BlockSpec((1, 1, blk), lambda i: (i, 0, 0)),
            pl.BlockSpec((blk, 16), lambda i: (i, 0)),
        ],
        out_specs=[
            pl.BlockSpec((64, 16), lambda i: (0, 0)),
            pl.BlockSpec((64, 1), lambda i: (0, 0)),
        ],
        out_shape=[
            jax.ShapeDtypeStruct((64, 16), jnp.float32),
            jax.ShapeDtypeStruct((64, 1), jnp.float32),
        ],
    )(batch2d, xp)


def _fc_pool_kernel(s_ref, c_ref, w_ref, b_ref, o_ref):
    pooled = s_ref[...] / jnp.maximum(c_ref[...], 1.0)
    o_ref[...] = jnp.maximum(jnp.dot(pooled, w_ref[...]) + b_ref[0], 0.0)


def _fc_pool(psum, pcnt, w, b):
    return pl.pallas_call(
        _fc_pool_kernel,
        in_specs=[
            pl.BlockSpec((64, 16), lambda: (0, 0)),
            pl.BlockSpec((64, 1), lambda: (0, 0)),
            pl.BlockSpec((16, 128), lambda: (0, 0)),
            pl.BlockSpec((1, 128), lambda: (0, 0)),
        ],
        out_specs=pl.BlockSpec((64, 128), lambda: (0, 0)),
        out_shape=jax.ShapeDtypeStruct((64, 128), jnp.float32),
    )(psum, pcnt, w, b)



def kernel(pro_x, pro_edge_index, pro_weight, pro_batch, global_rna, local_rna, params):
    p = params
    B = global_rna.shape[0]
    N = pro_x.shape[0]

    def conv1d(x, w, b):
        y = jax.lax.conv_general_dilated(x, w, window_strides=(1,), padding='VALID',
                                         dimension_numbers=('NCH', 'OIH', 'NCH'))
        return y + b[None, :, None]

    emb1p = jnp.zeros((128, 128), jnp.float32).at[:5].set(p['emb1'])
    emb2p = jnp.zeros((128, 128), jnp.float32).at[:65].set(p['emb2'])
    w1_2d = jnp.transpose(p['convr1_w'], (2, 0, 1)).reshape(256, 3000)
    w2_2d = jnp.transpose(p['convr2_w'], (2, 0, 1)).reshape(256, 2998)
    yg = _rna_conv(global_rna.reshape(B, 3000, 1), emb1p, w1_2d,
                   p['convr1_b'].reshape(32, 1))
    yl = _rna_conv(local_rna.reshape(B, 2998, 1), emb2p, w2_2d,
                   p['convr2_b'].reshape(32, 1))
    xc_rna = _rna_fc(yg.reshape(B, 32 * 121), yl.reshape(B, 32 * 121),
                     p['fc_xr_w'].T, p['fc_xr_b'].reshape(1, 128))

    src = pro_edge_index[0]
    dst = pro_edge_index[1]
    ew = pro_weight
    pad = EPAD - N_EDGES
    srcp = jnp.concatenate([src, jnp.zeros((pad,), jnp.int32)]).reshape(EPAD // SUB, SUB)
    dstp = jnp.concatenate([dst, jnp.full((pad,), AGG_ROWS - 1, jnp.int32)]).reshape(EPAD // SUB, SUB)
    sdp = jnp.stack([srcp, dstp], axis=1)
    ewp = jnp.concatenate([ew, jnp.zeros((pad,), jnp.float32)])

    def bn_fold(i):
        istr = '%d' % i
        g = p['bn%s_g' % istr]; bb = p['bn%s_b' % istr]
        mu = p['bn%s_m' % istr]; var = p['bn%s_v' % istr]
        inv = g / jnp.sqrt(var + 1e-5)
        return inv, bb - mu * inv

    def make_scal(i, bn_scale, bn_bias):
        scal = jnp.zeros((3, 128), jnp.float32)
        scal = scal.at[0, 0].set(1.0 + p['eps%d' % i])
        scal = scal.at[1, :16].set(bn_scale)
        scal = scal.at[2, :16].set(bn_bias)
        return scal

    x0p = jnp.pad(pro_x, ((0, 0), (0, 15)))
    w1v = jnp.pad(p['lin1_w'][:, 0], (0, 15))
    b1v = jnp.pad(p['lin1_b'], (0, 15))
    aparts = []
    for fg in range(3):
        x16 = x0p[:, fg * 16:(fg + 1) * 16]
        wb = jnp.stack([w1v[fg * 16:(fg + 1) * 16], b1v[fg * 16:(fg + 1) * 16]])
        part = _edge_pass(x16, sdp, ewp, wb)
        aparts.append(part[0, :N_NODES])
        aparts.append(part[1, :N_NODES])
    bn_s, bn_b = bn_fold(1)
    scal = make_scal(1, bn_s, bn_b)
    w1p = jnp.pad(p['nn1_w1'].T, ((0, 15), (0, 0)))
    xp = _node_mlp48(x0p, aparts, w1p, p['nn1_b1'][None, :],
                     p['nn1_w2'].T, p['nn1_b2'][None, :], scal)

    for i in range(2, 6):
        istr = '%d' % i
        wb = jnp.stack([p['lin%s_w' % istr][:, 0], p['lin%s_b' % istr]])
        part = _edge_pass(xp, sdp, ewp, wb)
        bn_s, bn_b = bn_fold(i)
        scal = make_scal(i, bn_s, bn_b)
        xp = _node_mlp16(xp, part[0, :N_NODES], part[1, :N_NODES],
                         p['nn%s_w1' % istr].T, p['nn%s_b1' % istr][None, :],
                         p['nn%s_w2' % istr].T, p['nn%s_b2' % istr][None, :],
                         scal)

    batch2d = pro_batch.reshape(N_NODES // 4000, 1, 4000)
    psum, pcnt = _pool(batch2d, xp)
    xp_out = _fc_pool(psum, pcnt, p['fc1_xp_w'].T, p['fc1_xp_b'][None, :])
    return (xc_rna, xp_out)

# --- scband reference (transcript-rebuilt; emitter-appended) ---
"""Pipeline reference for scband-wgine-29068338659498 (READ-ONLY COPY).

The authoritative reference and input builder live on the scoring server;
editing this copy changes nothing except your own understanding.
"""

import jax, jax.numpy as jnp
import numpy as np


def _init_params(key):
    keys = jax.random.split(key, 64)
    ki = [0]
    def nrm(shape, scale=0.1):
        k = keys[ki[0]]; ki[0] += 1
        return jax.random.normal(k, shape, dtype=jnp.float32) * scale
    p = {}
    dims_in = [33, 16, 16, 16, 16]
    for i, din in enumerate(dims_in, 1):
        p['lin%d_w' % i] = nrm((din, 1)); p['lin%d_b' % i] = nrm((din,))
        p['nn%d_w1' % i] = nrm((16, din)); p['nn%d_b1' % i] = nrm((16,))
        p['nn%d_w2' % i] = nrm((16, 16)); p['nn%d_b2' % i] = nrm((16,))
        p['eps%d' % i] = jnp.zeros(())
        p['bn%d_g' % i] = jnp.ones((16,)); p['bn%d_b' % i] = jnp.zeros((16,))
        p['bn%d_m' % i] = jnp.zeros((16,)); p['bn%d_v' % i] = jnp.ones((16,))
    p['fc1_xp_w'] = nrm((128, 16)); p['fc1_xp_b'] = nrm((128,))
    p['emb1'] = nrm((5, 128)); p['emb2'] = nrm((65, 128))
    p['convr1_w'] = nrm((32, 3000, 8), 0.02); p['convr1_b'] = nrm((32,))
    p['convr2_w'] = nrm((32, 2998, 8), 0.02); p['convr2_b'] = nrm((32,))
    p['fc_xr_w'] = nrm((128, 32 * 121), 0.02); p['fc_xr_b'] = nrm((128,))
    return p


def setup_inputs(seed: int = 0):
    key = jax.random.key(seed)
    k = jax.random.split(key, 8)
    N, E, B = 100000, 1600000, 64
    pro_x = jax.random.normal(k[0], (N, 33), dtype=jnp.float32)
    pro_edge_index = jax.random.randint(k[1], (2, E), 0, N, dtype=jnp.int32)
    pro_weight = jax.random.uniform(k[2], (E,), dtype=jnp.float32)
    pro_batch = jnp.sort(jax.random.randint(k[3], (N,), 0, B, dtype=jnp.int32))
    global_rna = jax.random.randint(k[4], (B, 3000), 0, 5, dtype=jnp.int32)
    local_rna = jax.random.randint(k[5], (B, 2998), 0, 65, dtype=jnp.int32)
    params = _init_params(k[6])
    return {'pro_x': pro_x, 'pro_edge_index': pro_edge_index, 'pro_weight': pro_weight,
            'pro_batch': pro_batch, 'global_rna': global_rna, 'local_rna': local_rna,
            'params': params}


def _gine(x, src, dst, ew, p, i):
    e = ew @ p['lin%d_w' % i].T + p['lin%d_b' % i]
    m = jax.nn.relu(x[src] + e)
    aggr = jax.ops.segment_sum(m, dst, num_segments=x.shape[0])
    h = (1.0 + p['eps%d' % i]) * x + aggr
    h = jax.nn.relu(h @ p['nn%d_w1' % i].T + p['nn%d_b1' % i])
    h = h @ p['nn%d_w2' % i].T + p['nn%d_b2' % i]
    return h


def _bn(x, p, i):
    return (x - p['bn%d_m' % i]) / jnp.sqrt(p['bn%d_v' % i] + 1e-5) * p['bn%d_g' % i] + p['bn%d_b' % i]


def _conv1d(x, w, b):
    y = jax.lax.conv_general_dilated(x, w, window_strides=(1,), padding='VALID',
                                     dimension_numbers=('NCH', 'OIH', 'NCH'))
    return y + b[None, :, None]


def _forward(pro_x, pro_weight, params, pro_edge_index, pro_batch, global_rna, local_rna):
    p = params
    B = global_rna.shape[0]
    # RNA global branch: embedding lookup -> Conv1d over embedding axis -> flatten -> fc
    xrg = p['emb1'][global_rna]
    xrg = _conv1d(xrg, p['convr1_w'], p['convr1_b']).reshape(-1, 32 * 121)
    xrg = xrg @ p['fc_xr_w'].T + p['fc_xr_b']
    # RNA local branch
    xrl = p['emb2'][local_rna]
    xrl = _conv1d(xrl, p['convr2_w'], p['convr2_b']).reshape(-1, 32 * 121)
    xrl = xrl @ p['fc_xr_w'].T + p['fc_xr_b']
    # Protein graph branch: 5x GINEConv (edge_dim=1) + BatchNorm (eval) + relu
    ew = pro_weight.reshape(-1, 1)
    src, dst = pro_edge_index[0], pro_edge_index[1]
    xp = pro_x
    for i in range(1, 6):
        xp = jax.nn.relu(_gine(xp, src, dst, ew, p, i))
        xp = _bn(xp, p, i)
    counts = jax.ops.segment_sum(jnp.ones((xp.shape[0],), dtype=jnp.float32), pro_batch, num_segments=B)
    pooled = jax.ops.segment_sum(xp, pro_batch, num_segments=B) / jnp.clip(counts, 1.0)[:, None]
    xp_out = jax.nn.relu(pooled @ p['fc1_xp_w'].T + p['fc1_xp_b'])
    # dropout is identity in eval mode
    xc_rna = (xrg + xrl) / 2.0
    return (xc_rna, xp_out)


def reference(pro_x, pro_edge_index, pro_weight, pro_batch, global_rna, local_rna, params):
    return _forward(pro_x, pro_weight, params, pro_edge_index, pro_batch, global_rna, local_rna)

if __name__ == "__main__":
    import jax
    _d = setup_inputs()
    print(jax.jit(kernel)(*tuple(_d.values())))

</pallas_src>

<mosaic_0001>
#map = affine_map<(d0, d1) -> (0, 0)>
#map1 = affine_map<(d0, d1) -> (0, 0, 0)>
#map2 = affine_map<(d0, d1) -> (0)>
module attributes {stable_mosaic.version = 14 : i64} {
  func.func @_edge_pass_body(%arg0: i32, %arg1: i32, %arg2: memref<100000x16xf32, #tpu.memory_space<hbm>>, %arg3: memref<12800x2x128xi32, #tpu.memory_space<hbm>>, %arg4: memref<1638400xf32, #tpu.memory_space<hbm>>, %arg5: memref<2x16xf32, #tpu.memory_space<hbm>>, %arg6: memref<2x100096x16xf32, #tpu.memory_space<hbm>>, %arg7: memref<8x2x128xi32, #tpu.memory_space<vmem>>, %arg8: memref<512xf32, #tpu.memory_space<vmem>>, %arg9: memref<512xf32, #tpu.memory_space<vmem>>, %arg10: memref<1024x16xf32, #tpu.memory_space<vmem>>, %arg11: memref<2x16xf32, #tpu.memory_space<vmem>>, %arg12: memref<100096x16xf32, #tpu.memory_space<vmem_shared>>, %arg13: memref<!tpu.dma_semaphore, #tpu.memory_space<semaphore_mem>>, %arg14: memref<!tpu.dma_semaphore, #tpu.memory_space<semaphore_mem>>, %arg15: memref<!tpu.dma_semaphore, #tpu.memory_space<semaphore_mem>>, %arg16: memref<!tpu.dma_semaphore, #tpu.memory_space<semaphore_mem>>) attributes {dimension_semantics = [#tpu.dimension_semantics<core_parallel>, #tpu.dimension_semantics<subcore_parallel>], iteration_bounds = array<i64: 2, 16>, scalar_prefetch = 0 : i64, scratch_operands = 10 : i64, tpu.core_type = #tpu.core_type<sc_vector_subcore>, window_params = [{transform_indices = #map}, {transform_indices = #map1}, {transform_indices = #map2}, {transform_indices = #map}, {transform_indices = #map1}]} {
    %mul3A = arith.constant 2 : i32
    %mul3A_0 = arith.muli %arg1, %mul3A : i32
    %add3A = arith.addi %mul3A_0, %arg0 : i32
    "tpu.region"() ({
      %run_scoped3A = tpu.sem_alloc : memref<!tpu.dma_semaphore, #tpu.memory_space<semaphore_mem>>
      tpu.enqueue_dma source(%arg5 : memref<2x16xf32, #tpu.memory_space<hbm>>) target(%arg11 : memref<2x16xf32, #tpu.memory_space<vmem>>) target_semaphore(%run_scoped3A : memref<!tpu.dma_semaphore, #tpu.memory_space<semaphore_mem>>)
      tpu.wait_dma2 semaphore(%run_scoped3A : memref<!tpu.dma_semaphore, #tpu.memory_space<semaphore_mem>>) src(%arg5 : memref<2x16xf32, #tpu.memory_space<hbm>>) dst(%arg11 : memref<2x16xf32, #tpu.memory_space<vmem>>)
      tpu.yield
    }) : () -> ()
    %get3A = arith.constant 0 : i32
    %get3A_1 = arith.index_cast %get3A : i32 to index
    %get3A_2 = arith.constant 0 : index
    %get3A_3 = tpu.vector_load %arg11[%get3A_1, %get3A_2] {strides = array<i32>} : memref<2x16xf32, #tpu.memory_space<vmem>>, vector<16xf32>,
    %get3A_4 = arith.constant 1 : i32
    %get3A_5 = arith.index_cast %get3A_4 : i32 to index
    %get3A_6 = arith.constant 0 : index
    %get3A_7 = tpu.vector_load %arg11[%get3A_5, %get3A_6] {strides = array<i32>} : memref<2x16xf32, #tpu.memory_space<vmem>>, vector<16xf32>,
    %parallel_loop3A = arith.constant 0 : i32
    %parallel_loop3A_8 = arith.constant 512 : i32
    %parallel_loop3A_9 = arith.constant 1 : i32
    scf.for %parallel_loop3A_117 = %parallel_loop3A to %parallel_loop3A_8 step %parallel_loop3A_9  : i32 {
      %parallel_loop3A_118 = arith.constant 0.000000e+00 : f32
      %parallel_loop3A_119 = vector.broadcast %parallel_loop3A_118 : f32 to vector<16xf32>
      %parallel_loop3A_120 = arith.index_cast %parallel_loop3A_117 : i32 to index
      %parallel_loop3A_121 = arith.constant 0 : index
      %parallel_loop3A_122 = tpu.vector_load %arg10[%parallel_loop3A_120, %parallel_loop3A_121] {strides = array<i32>} : memref<1024x16xf32, #tpu.memory_space<vmem>>, vector<16xf32>,
      tpu.vector_store %arg10[%parallel_loop3A_120, %parallel_loop3A_121], %parallel_loop3A_119 {strides = array<i32>} : memref<1024x16xf32, #tpu.memory_space<vmem>>, vector<16xf32>,
    } {sc.loop_unroll_factor = 8 : i64, sc.parallel_access}
    %mul3A_10 = arith.constant 6256 : i32
    %mul3A_11 = arith.muli %arg1, %mul3A_10 : i32
    %add3A_12 = arith.constant 0 : i32
    %add3A_13 = arith.addi %mul3A_11, %add3A_12 : i32
    "tpu.region"() ({
      %run_scoped3A = tpu.sem_alloc : memref<!tpu.dma_semaphore, #tpu.memory_space<semaphore_mem>>
      %dma_start3A_117 = arith.constant 0 : i32
      %dma_start3A_118 = arith.constant 0 : i32
      %dma_start3A_119 = tpu.memref_slice %arg10[%dma_start3A_117, %dma_start3A_118] : memref<1024x16xf32, #tpu.memory_space<vmem>> -> memref<512x16xf32, #tpu.memory_space<vmem>>
      %dma_start3A_120 = arith.constant 0 : i32
      %dma_start3A_121 = tpu.memref_slice %arg12[%add3A_13, %dma_start3A_120] : memref<100096x16xf32, #tpu.memory_space<vmem_shared>> -> memref<512x16xf32, #tpu.memory_space<vmem_shared>>
      %dma_start3A_122 = arith.constant 0 : i32
      %dma_start3A_123 = tpu.memref_slice %arg12[%add3A_13, %dma_start3A_122] : memref<100096x16xf32, #tpu.memory_space<vmem_shared>> -> memref<512x16xf32, #tpu.memory_space<vmem_shared>>
      %dma_start3A_124 = arith.constant 0 : i32
      %dma_start3A_125 = arith.constant 0 : i32
      %dma_start3A_126 = tpu.memref_slice %arg10[%dma_start3A_124, %dma_start3A_125] : memref<1024x16xf32, #tpu.memory_space<vmem>> -> memref<512x16xf32, #tpu.memory_space<vmem>>
      tpu.enqueue_dma source(%dma_start3A_126 : memref<512x16xf32, #tpu.memory_space<vmem>>) target(%dma_start3A_123 : memref<512x16xf32, #tpu.memory_space<vmem_shared>>) target_semaphore(%run_scoped3A : memref<!tpu.dma_semaphore, #tpu.memory_space<semaphore_mem>>)
      %dma_wait3A_127 = arith.constant 0 : i32
      %dma_wait3A_128 = arith.constant 0 : i32
      %dma_wait3A_129 = tpu.memref_slice %arg10[%dma_wait3A_127, %dma_wait3A_128] : memref<1024x16xf32, #tpu.memory_space<vmem>> -> memref<512x16xf32, #tpu.memory_space<vmem>>
      %dma_wait3A_130 = arith.constant 0 : i32
      %dma_wait3A_131 = tpu.memref_slice %arg12[%add3A_13, %dma_wait3A_130] : memref<100096x16xf32, #tpu.memory_space<vmem_shared>> -> memref<512x16xf32, #tpu.memory_space<vmem_shared>>
      %dma_wait3A_132 = arith.constant 0 : i32
      %dma_wait3A_133 = tpu.memref_slice %arg12[%add3A_13, %dma_wait3A_132] : memref<100096x16xf32, #tpu.memory_space<vmem_shared>> -> memref<512x16xf32, #tpu.memory_space<vmem_shared>>
      %dma_wait3A_134 = arith.constant 0 : i32
      %dma_wait3A_135 = arith.constant 0 : i32
      %dma_wait3A_136 = tpu.memref_slice %arg10[%dma_wait3A_134, %dma_wait3A_135] : memref<1024x16xf32, #tpu.memory_space<vmem>> -> memref<512x16xf32, #tpu.memory_space<vmem>>
      tpu.wait_dma2 semaphore(%run_scoped3A : memref<!tpu.dma_semaphore, #tpu.memory_space<semaphore_mem>>) src(%dma_wait3A_136 : memref<512x16xf32, #tpu.memory_space<vmem>>) dst(%dma_wait3A_133 : memref<512x16xf32, #tpu.memory_space<vmem_shared>>)
      tpu.yield
    }) : () -> ()
    %add3A_14 = arith.constant 512 : i32
    %add3A_15 = arith.addi %mul3A_11, %add3A_14 : i32
    "tpu.region"() ({
      %run_scoped3A = tpu.sem_alloc : memref<!tpu.dma_semaphore, #tpu.memory_space<semaphore_mem>>
      %dma_start3A_117 = arith.constant 0 : i32
      %dma_start3A_118 = arith.constant 0 : i32
      %dma_start3A_119 = tpu.memref_slice %arg10[%dma_start3A_117, %dma_start3A_118] : memref<1024x16xf32, #tpu.memory_space<vmem>> -> memref<512x16xf32, #tpu.memory_space<vmem>>
      %dma_start3A_120 = arith.constant 0 : i32
      %dma_start3A_121 = tpu.memref_slice %arg12[%add3A_15, %dma_start3A_120] : memref<100096x16xf32, #tpu.memory_space<vmem_shared>> -> memref<512x16xf32, #tpu.memory_space<vmem_shared>>
      %dma_start3A_122 = arith.constant 0 : i32
      %dma_start3A_123 = tpu.memref_slice %arg12[%add3A_15, %dma_start3A_122] : memref<100096x16xf32, #tpu.memory_space<vmem_shared>> -> memref<512x16xf32, #tpu.memory_space<vmem_shared>>
      %dma_start3A_124 = arith.constant 0 : i32
      %dma_start3A_125 = arith.constant 0 : i32
      %dma_start3A_126 = tpu.memref_slice %arg10[%dma_start3A_124, %dma_start3A_125] : memref<1024x16xf32, #tpu.memory_space<vmem>> -> memref<512x16xf32, #tpu.memory_space<vmem>>
      tpu.enqueue_dma source(%dma_start3A_126 : memref<512x16xf32, #tpu.memory_space<vmem>>) target(%dma_start3A_123 : memref<512x16xf32, #tpu.memory_space<vmem_shared>>) target_semaphore(%run_scoped3A : memref<!tpu.dma_semaphore, #tpu.memory_space<semaphore_mem>>)
      %dma_wait3A_127 = arith.constant 0 : i32
      %dma_wait3A_128 = arith.constant 0 : i32
      %dma_wait3A_129 = tpu.memref_slice %arg10[%dma_wait3A_127, %dma_wait3A_128] : memref<1024x16xf32, #tpu.memory_space<vmem>> -> memref<512x16xf32, #tpu.memory_space<vmem>>
      %dma_wait3A_130 = arith.constant 0 : i32
      %dma_wait3A_131 = tpu.memref_slice %arg12[%add3A_15, %dma_wait3A_130] : memref<100096x16xf32, #tpu.memory_space<vmem_shared>> -> memref<512x16xf32, #tpu.memory_space<vmem_shared>>
      %dma_wait3A_132 = arith.constant 0 : i32
      %dma_wait3A_133 = tpu.memref_slice %arg12[%add3A_15, %dma_wait3A_132] : memref<100096x16xf32, #tpu.memory_space<vmem_shared>> -> memref<512x16xf32, #tpu.memory_space<vmem_shared>>
      %dma_wait3A_134 = arith.constant 0 : i32
      %dma_wait3A_135 = arith.constant 0 : i32
      %dma_wait3A_136 = tpu.memref_slice %arg10[%dma_wait3A_134, %dma_wait3A_135] : memref<1024x16xf32, #tpu.memory_space<vmem>> -> memref<512x16xf32, #tpu.memory_space<vmem>>
      tpu.wait_dma2 semaphore(%run_scoped3A : memref<!tpu.dma_semaphore, #tpu.memory_space<semaphore_mem>>) src(%dma_wait3A_136 : memref<512x16xf32, #tpu.memory_space<vmem>>) dst(%dma_wait3A_133 : memref<512x16xf32, #tpu.memory_space<vmem_shared>>)
      tpu.yield
    }) : () -> ()
    %add3A_16 = arith.constant 1024 : i32
    %add3A_17 = arith.addi %mul3A_11, %add3A_16 : i32
    "tpu.region"() ({
      %run_scoped3A = tpu.sem_alloc : memref<!tpu.dma_semaphore, #tpu.memory_space<semaphore_mem>>
      %dma_start3A_117 = arith.constant 0 : i32
      %dma_start3A_118 = arith.constant 0 : i32
      %dma_start3A_119 = tpu.memref_slice %arg10[%dma_start3A_117, %dma_start3A_118] : memref<1024x16xf32, #tpu.memory_space<vmem>> -> memref<512x16xf32, #tpu.memory_space<vmem>>
      %dma_start3A_120 = arith.constant 0 : i32
      %dma_start3A_121 = tpu.memref_slice %arg12[%add3A_17, %dma_start3A_120] : memref<100096x16xf32, #tpu.memory_space<vmem_shared>> -> memref<512x16xf32, #tpu.memory_space<vmem_shared>>
      %dma_start3A_122 = arith.constant 0 : i32
      %dma_start3A_123 = tpu.memref_slice %arg12[%add3A_17, %dma_start3A_122] : memref<100096x16xf32, #tpu.memory_space<vmem_shared>> -> memref<512x16xf32, #tpu.memory_space<vmem_shared>>
      %dma_start3A_124 = arith.constant 0 : i32
      %dma_start3A_125 = arith.constant 0 : i32
      %dma_start3A_126 = tpu.memref_slice %arg10[%dma_start3A_124, %dma_start3A_125] : memref<1024x16xf32, #tpu.memory_space<vmem>> -> memref<512x16xf32, #tpu.memory_space<vmem>>
      tpu.enqueue_dma source(%dma_start3A_126 : memref<512x16xf32, #tpu.memory_space<vmem>>) target(%dma_start3A_123 : memref<512x16xf32, #tpu.memory_space<vmem_shared>>) target_semaphore(%run_scoped3A : memref<!tpu.dma_semaphore, #tpu.memory_space<semaphore_mem>>)
      %dma_wait3A_127 = arith.constant 0 : i32
      %dma_wait3A_128 = arith.constant 0 : i32
      %dma_wait3A_129 = tpu.memref_slice %arg10[%dma_wait3A_127, %dma_wait3A_128] : memref<1024x16xf32, #tpu.memory_space<vmem>> -> memref<512x16xf32, #tpu.memory_space<vmem>>
      %dma_wait3A_130 = arith.constant 0 : i32
      %dma_wait3A_131 = tpu.memref_slice %arg12[%add3A_17, %dma_wait3A_130] : memref<100096x16xf32, #tpu.memory_space<vmem_shared>> -> memref<512x16xf32, #tpu.memory_space<vmem_shared>>
      %dma_wait3A_132 = arith.constant 0 : i32
      %dma_wait3A_133 = tpu.memref_slice %arg12[%add3A_17, %dma_wait3A_132] : memref<100096x16xf32, #tpu.memory_space<vmem_shared>> -> memref<512x16xf32, #tpu.memory_space<vmem_shared>>
      %dma_wait3A_134 = arith.constant 0 : i32
      %dma_wait3A_135 = arith.constant 0 : i32
      %dma_wait3A_136 = tpu.memref_slice %arg10[%dma_wait3A_134, %dma_wait3A_135] : memref<1024x16xf32, #tpu.memory_space<vmem>> -> memref<512x16xf32, #tpu.memory_space<vmem>>
      tpu.wait_dma2 semaphore(%run_scoped3A : memref<!tpu.dma_semaphore, #tpu.memory_space<semaphore_mem>>) src(%dma_wait3A_136 : memref<512x16xf32, #tpu.memory_space<vmem>>) dst(%dma_wait3A_133 : memref<512x16xf32, #tpu.memory_space<vmem_shared>>)
      tpu.yield
    }) : () -> ()
    %add3A_18 = arith.constant 1536 : i32
    %add3A_19 = arith.addi %mul3A_11, %add3A_18 : i32
    "tpu.region"() ({
      %run_scoped3A = tpu.sem_alloc : memref<!tpu.dma_semaphore, #tpu.memory_space<semaphore_mem>>
      %dma_start3A_117 = arith.constant 0 : i32
      %dma_start3A_118 = arith.constant 0 : i32
      %dma_start3A_119 = tpu.memref_slice %arg10[%dma_start3A_117, %dma_start3A_118] : memref<1024x16xf32, #tpu.memory_space<vmem>> -> memref<512x16xf32, #tpu.memory_space<vmem>>
      %dma_start3A_120 = arith.constant 0 : i32
      %dma_start3A_121 = tpu.memref_slice %arg12[%add3A_19, %dma_start3A_120] : memref<100096x16xf32, #tpu.memory_space<vmem_shared>> -> memref<512x16xf32, #tpu.memory_space<vmem_shared>>
      %dma_start3A_122 = arith.constant 0 : i32
      %dma_start3A_123 = tpu.memref_slice %arg12[%add3A_19, %dma_start3A_122] : memref<100096x16xf32, #tpu.memory_space<vmem_shared>> -> memref<512x16xf32, #tpu.memory_space<vmem_shared>>
      %dma_start3A_124 = arith.constant 0 : i32
      %dma_start3A_125 = arith.constant 0 : i32
      %dma_start3A_126 = tpu.memref_slice %arg10[%dma_start3A_124, %dma_start3A_125] : memref<1024x16xf32, #tpu.memory_space<vmem>> -> memref<512x16xf32, #tpu.memory_space<vmem>>
      tpu.enqueue_dma source(%dma_start3A_126 : memref<512x16xf32, #tpu.memory_space<vmem>>) target(%dma_start3A_123 : memref<512x16xf32, #tpu.memory_space<vmem_shared>>) target_semaphore(%run_scoped3A : memref<!tpu.dma_semaphore, #tpu.memory_space<semaphore_mem>>)
      %dma_wait3A_127 = arith.constant 0 : i32
      %dma_wait3A_128 = arith.constant 0 : i32
      %dma_wait3A_129 = tpu.memref_slice %arg10[%dma_wait3A_127, %dma_wait3A_128] : memref<1024x16xf32, #tpu.memory_space<vmem>> -> memref<512x16xf32, #tpu.memory_space<vmem>>
      %dma_wait3A_130 = arith.constant 0 : i32
      %dma_wait3A_131 = tpu.memref_slice %arg12[%add3A_19, %dma_wait3A_130] : memref<100096x16xf32, #tpu.memory_space<vmem_shared>> -> memref<512x16xf32, #tpu.memory_space<vmem_shared>>
      %dma_wait3A_132 = arith.constant 0 : i32
      %dma_wait3A_133 = tpu.memref_slice %arg12[%add3A_19, %dma_wait3A_132] : memref<100096x16xf32, #tpu.memory_space<vmem_shared>> -> memref<512x16xf32, #tpu.memory_space<vmem_shared>>
      %dma_wait3A_134 = arith.constant 0 : i32
      %dma_wait3A_135 = arith.constant 0 : i32
      %dma_wait3A_136 = tpu.memref_slice %arg10[%dma_wait3A_134, %dma_wait3A_135] : memref<1024x16xf32, #tpu.memory_space<vmem>> -> memref<512x16xf32, #tpu.memory_space<vmem>>
      tpu.wait_dma2 semaphore(%run_scoped3A : memref<!tpu.dma_semaphore, #tpu.memory_space<semaphore_mem>>) src(%dma_wait3A_136 : memref<512x16xf32, #tpu.memory_space<vmem>>) dst(%dma_wait3A_133 : memref<512x16xf32, #tpu.memory_space<vmem_shared>>)
      tpu.yield
    }) : () -> ()
    %add3A_20 = arith.constant 2048 : i32
    %add3A_21 = arith.addi %mul3A_11, %add3A_20 : i32
    "tpu.region"() ({
      %run_scoped3A = tpu.sem_alloc : memref<!tpu.dma_semaphore, #tpu.memory_space<semaphore_mem>>
      %dma_start3A_117 = arith.constant 0 : i32
      %dma_start3A_118 = arith.constant 0 : i32
      %dma_start3A_119 = tpu.memref_slice %arg10[%dma_start3A_117, %dma_start3A_118] : memref<1024x16xf32, #tpu.memory_space<vmem>> -> memref<512x16xf32, #tpu.memory_space<vmem>>
      %dma_start3A_120 = arith.constant 0 : i32
      %dma_start3A_121 = tpu.memref_slice %arg12[%add3A_21, %dma_start3A_120] : memref<100096x16xf32, #tpu.memory_space<vmem_shared>> -> memref<512x16xf32, #tpu.memory_space<vmem_shared>>
      %dma_start3A_122 = arith.constant 0 : i32
      %dma_start3A_123 = tpu.memref_slice %arg12[%add3A_21, %dma_start3A_122] : memref<100096x16xf32, #tpu.memory_space<vmem_shared>> -> memref<512x16xf32, #tpu.memory_space<vmem_shared>>
      %dma_start3A_124 = arith.constant 0 : i32
      %dma_start3A_125 = arith.constant 0 : i32
      %dma_start3A_126 = tpu.memref_slice %arg10[%dma_start3A_124, %dma_start3A_125] : memref<1024x16xf32, #tpu.memory_space<vmem>> -> memref<512x16xf32, #tpu.memory_space<vmem>>
      tpu.enqueue_dma source(%dma_start3A_126 : memref<512x16xf32, #tpu.memory_space<vmem>>) target(%dma_start3A_123 : memref<512x16xf32, #tpu.memory_space<vmem_shared>>) target_semaphore(%run_scoped3A : memref<!tpu.dma_semaphore, #tpu.memory_space<semaphore_mem>>)
      %dma_wait3A_127 = arith.constant 0 : i32
      %dma_wait3A_128 = arith.constant 0 : i32
      %dma_wait3A_129 = tpu.memref_slice %arg10[%dma_wait3A_127, %dma_wait3A_128] : memref<1024x16xf32, #tpu.memory_space<vmem>> -> memref<512x16xf32, #tpu.memory_space<vmem>>
      %dma_wait3A_130 = arith.constant 0 : i32
      %dma_wait3A_131 = tpu.memref_slice %arg12[%add3A_21, %dma_wait3A_130] : memref<100096x16xf32, #tpu.memory_space<vmem_shared>> -> memref<512x16xf32, #tpu.memory_space<vmem_shared>>
      %dma_wait3A_132 = arith.constant 0 : i32
      %dma_wait3A_133 = tpu.memref_slice %arg12[%add3A_21, %dma_wait3A_132] : memref<100096x16xf32, #tpu.memory_space<vmem_shared>> -> memref<512x16xf32, #tpu.memory_space<vmem_shared>>
      %dma_wait3A_134 = arith.constant 0 : i32
      %dma_wait3A_135 = arith.constant 0 : i32
      %dma_wait3A_136 = tpu.memref_slice %arg10[%dma_wait3A_134, %dma_wait3A_135] : memref<1024x16xf32, #tpu.memory_space<vmem>> -> memref<512x16xf32, #tpu.memory_space<vmem>>
      tpu.wait_dma2 semaphore(%run_scoped3A : memref<!tpu.dma_semaphore, #tpu.memory_space<semaphore_mem>>) src(%dma_wait3A_136 : memref<512x16xf32, #tpu.memory_space<vmem>>) dst(%dma_wait3A_133 : memref<512x16xf32, #tpu.memory_space<vmem_shared>>)
      tpu.yield
    }) : () -> ()
    %add3A_22 = arith.constant 2560 : i32
    %add3A_23 = arith.addi %mul3A_11, %add3A_22 : i32
    "tpu.region"() ({
      %run_scoped3A = tpu.sem_alloc : memref<!tpu.dma_semaphore, #tpu.memory_space<semaphore_mem>>
      %dma_start3A_117 = arith.constant 0 : i32
      %dma_start3A_118 = arith.constant 0 : i32
      %dma_start3A_119 = tpu.memref_slice %arg10[%dma_start3A_117, %dma_start3A_118] : memref<1024x16xf32, #tpu.memory_space<vmem>> -> memref<512x16xf32, #tpu.memory_space<vmem>>
      %dma_start3A_120 = arith.constant 0 : i32
      %dma_start3A_121 = tpu.memref_slice %arg12[%add3A_23, %dma_start3A_120] : memref<100096x16xf32, #tpu.memory_space<vmem_shared>> -> memref<512x16xf32, #tpu.memory_space<vmem_shared>>
      %dma_start3A_122 = arith.constant 0 : i32
      %dma_start3A_123 = tpu.memref_slice %arg12[%add3A_23, %dma_start3A_122] : memref<100096x16xf32, #tpu.memory_space<vmem_shared>> -> memref<512x16xf32, #tpu.memory_space<vmem_shared>>
      %dma_start3A_124 = arith.constant 0 : i32
      %dma_start3A_125 = arith.constant 0 : i32
      %dma_start3A_126 = tpu.memref_slice %arg10[%dma_start3A_124, %dma_start3A_125] : memref<1024x16xf32, #tpu.memory_space<vmem>> -> memref<512x16xf32, #tpu.memory_space<vmem>>
      tpu.enqueue_dma source(%dma_start3A_126 : memref<512x16xf32, #tpu.memory_space<vmem>>) target(%dma_start3A_123 : memref<512x16xf32, #tpu.memory_space<vmem_shared>>) target_semaphore(%run_scoped3A : memref<!tpu.dma_semaphore, #tpu.memory_space<semaphore_mem>>)
      %dma_wait3A_127 = arith.constant 0 : i32
      %dma_wait3A_128 = arith.constant 0 : i32
      %dma_wait3A_129 = tpu.memref_slice %arg10[%dma_wait3A_127, %dma_wait3A_128] : memref<1024x16xf32, #tpu.memory_space<vmem>> -> memref<512x16xf32, #tpu.memory_space<vmem>>
      %dma_wait3A_130 = arith.constant 0 : i32
      %dma_wait3A_131 = tpu.memref_slice %arg12[%add3A_23, %dma_wait3A_130] : memref<100096x16xf32, #tpu.memory_space<vmem_shared>> -> memref<512x16xf32, #tpu.memory_space<vmem_shared>>
      %dma_wait3A_132 = arith.constant 0 : i32
      %dma_wait3A_133 = tpu.memref_slice %arg12[%add3A_23, %dma_wait3A_132] : memref<100096x16xf32, #tpu.memory_space<vmem_shared>> -> memref<512x16xf32, #tpu.memory_space<vmem_shared>>
      %dma_wait3A_134 = arith.constant 0 : i32
      %dma_wait3A_135 = arith.constant 0 : i32
      %dma_wait3A_136 = tpu.memref_slice %arg10[%dma_wait3A_134, %dma_wait3A_135] : memref<1024x16xf32, #tpu.memory_space<vmem>> -> memref<512x16xf32, #tpu.memory_space<vmem>>
      tpu.wait_dma2 semaphore(%run_scoped3A : memref<!tpu.dma_semaphore, #tpu.memory_space<semaphore_mem>>) src(%dma_wait3A_136 : memref<512x16xf32, #tpu.memory_space<vmem>>) dst(%dma_wait3A_133 : memref<512x16xf32, #tpu.memory_space<vmem_shared>>)
      tpu.yield
    }) : () -> ()
    %add3A_24 = arith.constant 3072 : i32
    %add3A_25 = arith.addi %mul3A_11, %add3A_24 : i32
    "tpu.region"() ({
      %run_scoped3A = tpu.sem_alloc : memref<!tpu.dma_semaphore, #tpu.memory_space<semaphore_mem>>
      %dma_start3A_117 = arith.constant 0 : i32
      %dma_start3A_118 = arith.constant 0 : i32
      %dma_start3A_119 = tpu.memref_slice %arg10[%dma_start3A_117, %dma_start3A_118] : memref<1024x16xf32, #tpu.memory_space<vmem>> -> memref<512x16xf32, #tpu.memory_space<vmem>>
      %dma_start3A_120 = arith.constant 0 : i32
      %dma_start3A_121 = tpu.memref_slice %arg12[%add3A_25, %dma_start3A_120] : memref<100096x16xf32, #tpu.memory_space<vmem_shared>> -> memref<512x16xf32, #tpu.memory_space<vmem_shared>>
      %dma_start3A_122 = arith.constant 0 : i32
      %dma_start3A_123 = tpu.memref_slice %arg12[%add3A_25, %dma_start3A_122] : memref<100096x16xf32, #tpu.memory_space<vmem_shared>> -> memref<512x16xf32, #tpu.memory_space<vmem_shared>>
      %dma_start3A_124 = arith.constant 0 : i32
      %dma_start3A_125 = arith.constant 0 : i32
      %dma_start3A_126 = tpu.memref_slice %arg10[%dma_start3A_124, %dma_start3A_125] : memref<1024x16xf32, #tpu.memory_space<vmem>> -> memref<512x16xf32, #tpu.memory_space<vmem>>
      tpu.enqueue_dma source(%dma_start3A_126 : memref<512x16xf32, #tpu.memory_space<vmem>>) target(%dma_start3A_123 : memref<512x16xf32, #tpu.memory_space<vmem_shared>>) target_semaphore(%run_scoped3A : memref<!tpu.dma_semaphore, #tpu.memory_space<semaphore_mem>>)
      %dma_wait3A_127 = arith.constant 0 : i32
      %dma_wait3A_128 = arith.constant 0 : i32
      %dma_wait3A_129 = tpu.memref_slice %arg10[%dma_wait3A_127, %dma_wait3A_128] : memref<1024x16xf32, #tpu.memory_space<vmem>> -> memref<512x16xf32, #tpu.memory_space<vmem>>
      %dma_wait3A_130 = arith.constant 0 : i32
      %dma_wait3A_131 = tpu.memref_slice %arg12[%add3A_25, %dma_wait3A_130] : memref<100096x16xf32, #tpu.memory_space<vmem_shared>> -> memref<512x16xf32, #tpu.memory_space<vmem_shared>>
      %dma_wait3A_132 = arith.constant 0 : i32
      %dma_wait3A_133 = tpu.memref_slice %arg12[%add3A_25, %dma_wait3A_132] : memref<100096x16xf32, #tpu.memory_space<vmem_shared>> -> memref<512x16xf32, #tpu.memory_space<vmem_shared>>
      %dma_wait3A_134 = arith.constant 0 : i32
      %dma_wait3A_135 = arith.constant 0 : i32
      %dma_wait3A_136 = tpu.memref_slice %arg10[%dma_wait3A_134, %dma_wait3A_135] : memref<1024x16xf32, #tpu.memory_space<vmem>> -> memref<512x16xf32, #tpu.memory_space<vmem>>
      tpu.wait_dma2 semaphore(%run_scoped3A : memref<!tpu.dma_semaphore, #tpu.memory_space<semaphore_mem>>) src(%dma_wait3A_136 : memref<512x16xf32, #tpu.memory_space<vmem>>) dst(%dma_wait3A_133 : memref<512x16xf32, #tpu.memory_space<vmem_shared>>)
      tpu.yield
    }) : () -> ()
    %add3A_26 = arith.constant 3584 : i32
    %add3A_27 = arith.addi %mul3A_11, %add3A_26 : i32
    "tpu.region"() ({
      %run_scoped3A = tpu.sem_alloc : memref<!tpu.dma_semaphore, #tpu.memory_space<semaphore_mem>>
      %dma_start3A_117 = arith.constant 0 : i32
      %dma_start3A_118 = arith.constant 0 : i32
      %dma_start3A_119 = tpu.memref_slice %arg10[%dma_start3A_117, %dma_start3A_118] : memref<1024x16xf32, #tpu.memory_space<vmem>> -> memref<512x16xf32, #tpu.memory_space<vmem>>
      %dma_start3A_120 = arith.constant 0 : i32
      %dma_start3A_121 = tpu.memref_slice %arg12[%add3A_27, %dma_start3A_120] : memref<100096x16xf32, #tpu.memory_space<vmem_shared>> -> memref<512x16xf32, #tpu.memory_space<vmem_shared>>
      %dma_start3A_122 = arith.constant 0 : i32
      %dma_start3A_123 = tpu.memref_slice %arg12[%add3A_27, %dma_start3A_122] : memref<100096x16xf32, #tpu.memory_space<vmem_shared>> -> memref<512x16xf32, #tpu.memory_space<vmem_shared>>
      %dma_start3A_124 = arith.constant 0 : i32
      %dma_start3A_125 = arith.constant 0 : i32
      %dma_start3A_126 = tpu.memref_slice %arg10[%dma_start3A_124, %dma_start3A_125] : memref<1024x16xf32, #tpu.memory_space<vmem>> -> memref<512x16xf32, #tpu.memory_space<vmem>>
      tpu.enqueue_dma source(%dma_start3A_126 : memref<512x16xf32, #tpu.memory_space<vmem>>) target(%dma_start3A_123 : memref<512x16xf32, #tpu.memory_space<vmem_shared>>) target_semaphore(%run_scoped3A : memref<!tpu.dma_semaphore, #tpu.memory_space<semaphore_mem>>)
      %dma_wait3A_127 = arith.constant 0 : i32
      %dma_wait3A_128 = arith.constant 0 : i32
      %dma_wait3A_129 = tpu.memref_slice %arg10[%dma_wait3A_127, %dma_wait3A_128] : memref<1024x16xf32, #tpu.memory_space<vmem>> -> memref<512x16xf32, #tpu.memory_space<vmem>>
      %dma_wait3A_130 = arith.constant 0 : i32
      %dma_wait3A_131 = tpu.memref_slice %arg12[%add3A_27, %dma_wait3A_130] : memref<100096x16xf32, #tpu.memory_space<vmem_shared>> -> memref<512x16xf32, #tpu.memory_space<vmem_shared>>
      %dma_wait3A_132 = arith.constant 0 : i32
      %dma_wait3A_133 = tpu.memref_slice %arg12[%add3A_27, %dma_wait3A_132] : memref<100096x16xf32, #tpu.memory_space<vmem_shared>> -> memref<512x16xf32, #tpu.memory_space<vmem_shared>>
      %dma_wait3A_134 = arith.constant 0 : i32
      %dma_wait3A_135 = arith.constant 0 : i32
      %dma_wait3A_136 = tpu.memref_slice %arg10[%dma_wait3A_134, %dma_wait3A_135] : memref<1024x16xf32, #tpu.memory_space<vmem>> -> memref<512x16xf32, #tpu.memory_space<vmem>>
      tpu.wait_dma2 semaphore(%run_scoped3A : memref<!tpu.dma_semaphore, #tpu.memory_space<semaphore_mem>>) src(%dma_wait3A_136 : memref<512x16xf32, #tpu.memory_space<vmem>>) dst(%dma_wait3A_133 : memref<512x16xf32, #tpu.memory_space<vmem_shared>>)
      tpu.yield
    }) : () -> ()
    %add3A_28 = arith.constant 4096 : i32
    %add3A_29 = arith.addi %mul3A_11, %add3A_28 : i32
    "tpu.region"() ({
      %run_scoped3A = tpu.sem_alloc : memref<!tpu.dma_semaphore, #tpu.memory_space<semaphore_mem>>
      %dma_start3A_117 = arith.constant 0 : i32
      %dma_start3A_118 = arith.constant 0 : i32
      %dma_start3A_119 = tpu.memref_slice %arg10[%dma_start3A_117, %dma_start3A_118] : memref<1024x16xf32, #tpu.memory_space<vmem>> -> memref<512x16xf32, #tpu.memory_space<vmem>>
      %dma_start3A_120 = arith.constant 0 : i32
      %dma_start3A_121 = tpu.memref_slice %arg12[%add3A_29, %dma_start3A_120] : memref<100096x16xf32, #tpu.memory_space<vmem_shared>> -> memref<512x16xf32, #tpu.memory_space<vmem_shared>>
      %dma_start3A_122 = arith.constant 0 : i32
      %dma_start3A_123 = tpu.memref_slice %arg12[%add3A_29, %dma_start3A_122] : memref<100096x16xf32, #tpu.memory_space<vmem_shared>> -> memref<512x16xf32, #tpu.memory_space<vmem_shared>>
      %dma_start3A_124 = arith.constant 0 : i32
      %dma_start3A_125 = arith.constant 0 : i32
      %dma_start3A_126 = tpu.memref_slice %arg10[%dma_start3A_124, %dma_start3A_125] : memref<1024x16xf32, #tpu.memory_space<vmem>> -> memref<512x16xf32, #tpu.memory_space<vmem>>
      tpu.enqueue_dma source(%dma_start3A_126 : memref<512x16xf32, #tpu.memory_space<vmem>>) target(%dma_start3A_123 : memref<512x16xf32, #tpu.memory_space<vmem_shared>>) target_semaphore(%run_scoped3A : memref<!tpu.dma_semaphore, #tpu.memory_space<semaphore_mem>>)
      %dma_wait3A_127 = arith.constant 0 : i32
      %dma_wait3A_128 = arith.constant 0 : i32
      %dma_wait3A_129 = tpu.memref_slice %arg10[%dma_wait3A_127, %dma_wait3A_128] : memref<1024x16xf32, #tpu.memory_space<vmem>> -> memref<512x16xf32, #tpu.memory_space<vmem>>
      %dma_wait3A_130 = arith.constant 0 : i32
      %dma_wait3A_131 = tpu.memref_slice %arg12[%add3A_29, %dma_wait3A_130] : memref<100096x16xf32, #tpu.memory_space<vmem_shared>> -> memref<512x16xf32, #tpu.memory_space<vmem_shared>>
      %dma_wait3A_132 = arith.constant 0 : i32
      %dma_wait3A_133 = tpu.memref_slice %arg12[%add3A_29, %dma_wait3A_132] : memref<100096x16xf32, #tpu.memory_space<vmem_shared>> -> memref<512x16xf32, #tpu.memory_space<vmem_shared>>
      %dma_wait3A_134 = arith.constant 0 : i32
      %dma_wait3A_135 = arith.constant 0 : i32
      %dma_wait3A_136 = tpu.memref_slice %arg10[%dma_wait3A_134, %dma_wait3A_135] : memref<1024x16xf32, #tpu.memory_space<vmem>> -> memref<512x16xf32, #tpu.memory_space<vmem>>
      tpu.wait_dma2 semaphore(%run_scoped3A : memref<!tpu.dma_semaphore, #tpu.memory_space<semaphore_mem>>) src(%dma_wait3A_136 : memref<512x16xf32, #tpu.memory_space<vmem>>) dst(%dma_wait3A_133 : memref<512x16xf32, #tpu.memory_space<vmem_shared>>)
      tpu.yield
    }) : () -> ()
    %add3A_30 = arith.constant 4608 : i32
    %add3A_31 = arith.addi %mul3A_11, %add3A_30 : i32
    "tpu.region"() ({
      %run_scoped3A = tpu.sem_alloc : memref<!tpu.dma_semaphore, #tpu.memory_space<semaphore_mem>>
      %dma_start3A_117 = arith.constant 0 : i32
      %dma_start3A_118 = arith.constant 0 : i32
      %dma_start3A_119 = tpu.memref_slice %arg10[%dma_start3A_117, %dma_start3A_118] : memref<1024x16xf32, #tpu.memory_space<vmem>> -> memref<512x16xf32, #tpu.memory_space<vmem>>
      %dma_start3A_120 = arith.constant 0 : i32
      %dma_start3A_121 = tpu.memref_slice %arg12[%add3A_31, %dma_start3A_120] : memref<100096x16xf32, #tpu.memory_space<vmem_shared>> -> memref<512x16xf32, #tpu.memory_space<vmem_shared>>
      %dma_start3A_122 = arith.constant 0 : i32
      %dma_start3A_123 = tpu.memref_slice %arg12[%add3A_31, %dma_start3A_122] : memref<100096x16xf32, #tpu.memory_space<vmem_shared>> -> memref<512x16xf32, #tpu.memory_space<vmem_shared>>
      %dma_start3A_124 = arith.constant 0 : i32
      %dma_start3A_125 = arith.constant 0 : i32
      %dma_start3A_126 = tpu.memref_slice %arg10[%dma_start3A_124, %dma_start3A_125] : memref<1024x16xf32, #tpu.memory_space<vmem>> -> memref<512x16xf32, #tpu.memory_space<vmem>>
      tpu.enqueue_dma source(%dma_start3A_126 : memref<512x16xf32, #tpu.memory_space<vmem>>) target(%dma_start3A_123 : memref<512x16xf32, #tpu.memory_space<vmem_shared>>) target_semaphore(%run_scoped3A : memref<!tpu.dma_semaphore, #tpu.memory_space<semaphore_mem>>)
      %dma_wait3A_127 = arith.constant 0 : i32
      %dma_wait3A_128 = arith.constant 0 : i32
      %dma_wait3A_129 = tpu.memref_slice %arg10[%dma_wait3A_127, %dma_wait3A_128] : memref<1024x16xf32, #tpu.memory_space<vmem>> -> memref<512x16xf32, #tpu.memory_space<vmem>>
      %dma_wait3A_130 = arith.constant 0 : i32
      %dma_wait3A_131 = tpu.memref_slice %arg12[%add3A_31, %dma_wait3A_130] : memref<100096x16xf32, #tpu.memory_space<vmem_shared>> -> memref<512x16xf32, #tpu.memory_space<vmem_shared>>
      %dma_wait3A_132 = arith.constant 0 : i32
      %dma_wait3A_133 = tpu.memref_slice %arg12[%add3A_31, %dma_wait3A_132] : memref<100096x16xf32, #tpu.memory_space<vmem_shared>> -> memref<512x16xf32, #tpu.memory_space<vmem_shared>>
      %dma_wait3A_134 = arith.constant 0 : i32
      %dma_wait3A_135 = arith.constant 0 : i32
      %dma_wait3A_136 = tpu.memref_slice %arg10[%dma_wait3A_134, %dma_wait3A_135] : memref<1024x16xf32, #tpu.memory_space<vmem>> -> memref<512x16xf32, #tpu.memory_space<vmem>>
      tpu.wait_dma2 semaphore(%run_scoped3A : memref<!tpu.dma_semaphore, #tpu.memory_space<semaphore_mem>>) src(%dma_wait3A_136 : memref<512x16xf32, #tpu.memory_space<vmem>>) dst(%dma_wait3A_133 : memref<512x16xf32, #tpu.memory_space<vmem_shared>>)
      tpu.yield
    }) : () -> ()
    %add3A_32 = arith.constant 5120 : i32
    %add3A_33 = arith.addi %mul3A_11, %add3A_32 : i32
    "tpu.region"() ({
      %run_scoped3A = tpu.sem_alloc : memref<!tpu.dma_semaphore, #tpu.memory_space<semaphore_mem>>
      %dma_start3A_117 = arith.constant 0 : i32
      %dma_start3A_118 = arith.constant 0 : i32
      %dma_start3A_119 = tpu.memref_slice %arg10[%dma_start3A_117, %dma_start3A_118] : memref<1024x16xf32, #tpu.memory_space<vmem>> -> memref<512x16xf32, #tpu.memory_space<vmem>>
      %dma_start3A_120 = arith.constant 0 : i32
      %dma_start3A_121 = tpu.memref_slice %arg12[%add3A_33, %dma_start3A_120] : memref<100096x16xf32, #tpu.memory_space<vmem_shared>> -> memref<512x16xf32, #tpu.memory_space<vmem_shared>>
      %dma_start3A_122 = arith.constant 0 : i32
      %dma_start3A_123 = tpu.memref_slice %arg12[%add3A_33, %dma_start3A_122] : memref<100096x16xf32, #tpu.memory_space<vmem_shared>> -> memref<512x16xf32, #tpu.memory_space<vmem_shared>>
      %dma_start3A_124 = arith.constant 0 : i32
      %dma_start3A_125 = arith.constant 0 : i32
      %dma_start3A_126 = tpu.memref_slice %arg10[%dma_start3A_124, %dma_start3A_125] : memref<1024x16xf32, #tpu.memory_space<vmem>> -> memref<512x16xf32, #tpu.memory_space<vmem>>
      tpu.enqueue_dma source(%dma_start3A_126 : memref<512x16xf32, #tpu.memory_space<vmem>>) target(%dma_start3A_123 : memref<512x16xf32, #tpu.memory_space<vmem_shared>>) target_semaphore(%run_scoped3A : memref<!tpu.dma_semaphore, #tpu.memory_space<semaphore_mem>>)
      %dma_wait3A_127 = arith.constant 0 : i32
      %dma_wait3A_128 = arith.constant 0 : i32
      %dma_wait3A_129 = tpu.memref_slice %arg10[%dma_wait3A_127, %dma_wait3A_128] : memref<1024x16xf32, #tpu.memory_space<vmem>> -> memref<512x16xf32, #tpu.memory_space<vmem>>
      %dma_wait3A_130 = arith.constant 0 : i32
      %dma_wait3A_131 = tpu.memref_slice %arg12[%add3A_33, %dma_wait3A_130] : memref<100096x16xf32, #tpu.memory_space<vmem_shared>> -> memref<512x16xf32, #tpu.memory_space<vmem_shared>>
      %dma_wait3A_132 = arith.constant 0 : i32
      %dma_wait3A_133 = tpu.memref_slice %arg12[%add3A_33, %dma_wait3A_132] : memref<100096x16xf32, #tpu.memory_space<vmem_shared>> -> memref<512x16xf32, #tpu.memory_space<vmem_shared>>
      %dma_wait3A_134 = arith.constant 0 : i32
      %dma_wait3A_135 = arith.constant 0 : i32
      %dma_wait3A_136 = tpu.memref_slice %arg10[%dma_wait3A_134, %dma_wait3A_135] : memref<1024x16xf32, #tpu.memory_space<vmem>> -> memref<512x16xf32, #tpu.memory_space<vmem>>
      tpu.wait_dma2 semaphore(%run_scoped3A : memref<!tpu.dma_semaphore, #tpu.memory_space<semaphore_mem>>) src(%dma_wait3A_136 : memref<512x16xf32, #tpu.memory_space<vmem>>) dst(%dma_wait3A_133 : memref<512x16xf32, #tpu.memory_space<vmem_shared>>)
      tpu.yield
    }) : () -> ()
    %add3A_34 = arith.constant 5632 : i32
    %add3A_35 = arith.addi %mul3A_11, %add3A_34 : i32
    "tpu.region"() ({
      %run_scoped3A = tpu.sem_alloc : memref<!tpu.dma_semaphore, #tpu.memory_space<semaphore_mem>>
      %dma_start3A_117 = arith.constant 0 : i32
      %dma_start3A_118 = arith.constant 0 : i32
      %dma_start3A_119 = tpu.memref_slice %arg10[%dma_start3A_117, %dma_start3A_118] : memref<1024x16xf32, #tpu.memory_space<vmem>> -> memref<512x16xf32, #tpu.memory_space<vmem>>
      %dma_start3A_120 = arith.constant 0 : i32
      %dma_start3A_121 = tpu.memref_slice %arg12[%add3A_35, %dma_start3A_120] : memref<100096x16xf32, #tpu.memory_space<vmem_shared>> -> memref<512x16xf32, #tpu.memory_space<vmem_shared>>
      %dma_start3A_122 = arith.constant 0 : i32
      %dma_start3A_123 = tpu.memref_slice %arg12[%add3A_35, %dma_start3A_122] : memref<100096x16xf32, #tpu.memory_space<vmem_shared>> -> memref<512x16xf32, #tpu.memory_space<vmem_shared>>
      %dma_start3A_124 = arith.constant 0 : i32
      %dma_start3A_125 = arith.constant 0 : i32
      %dma_start3A_126 = tpu.memref_slice %arg10[%dma_start3A_124, %dma_start3A_125] : memref<1024x16xf32, #tpu.memory_space<vmem>> -> memref<512x16xf32, #tpu.memory_space<vmem>>
      tpu.enqueue_dma source(%dma_start3A_126 : memref<512x16xf32, #tpu.memory_space<vmem>>) target(%dma_start3A_123 : memref<512x16xf32, #tpu.memory_space<vmem_shared>>) target_semaphore(%run_scoped3A : memref<!tpu.dma_semaphore, #tpu.memory_space<semaphore_mem>>)
      %dma_wait3A_127 = arith.constant 0 : i32
      %dma_wait3A_128 = arith.constant 0 : i32
      %dma_wait3A_129 = tpu.memref_slice %arg10[%dma_wait3A_127, %dma_wait3A_128] : memref<1024x16xf32, #tpu.memory_space<vmem>> -> memref<512x16xf32, #tpu.memory_space<vmem>>
      %dma_wait3A_130 = arith.constant 0 : i32
      %dma_wait3A_131 = tpu.memref_slice %arg12[%add3A_35, %dma_wait3A_130] : memref<100096x16xf32, #tpu.memory_space<vmem_shared>> -> memref<512x16xf32, #tpu.memory_space<vmem_shared>>
      %dma_wait3A_132 = arith.constant 0 : i32
      %dma_wait3A_133 = tpu.memref_slice %arg12[%add3A_35, %dma_wait3A_132] : memref<100096x16xf32, #tpu.memory_space<vmem_shared>> -> memref<512x16xf32, #tpu.memory_space<vmem_shared>>
      %dma_wait3A_134 = arith.constant 0 : i32
      %dma_wait3A_135 = arith.constant 0 : i32
      %dma_wait3A_136 = tpu.memref_slice %arg10[%dma_wait3A_134, %dma_wait3A_135] : memref<1024x16xf32, #tpu.memory_space<vmem>> -> memref<512x16xf32, #tpu.memory_space<vmem>>
      tpu.wait_dma2 semaphore(%run_scoped3A : memref<!tpu.dma_semaphore, #tpu.memory_space<semaphore_mem>>) src(%dma_wait3A_136 : memref<512x16xf32, #tpu.memory_space<vmem>>) dst(%dma_wait3A_133 : memref<512x16xf32, #tpu.memory_space<vmem_shared>>)
      tpu.yield
    }) : () -> ()
    %add3A_36 = arith.constant 6144 : i32
    %add3A_37 = arith.addi %mul3A_11, %add3A_36 : i32
    "tpu.region"() ({
      %run_scoped3A = tpu.sem_alloc : memref<!tpu.dma_semaphore, #tpu.memory_space<semaphore_mem>>
      %dma_start3A_117 = arith.constant 0 : i32
      %dma_start3A_118 = arith.constant 0 : i32
      %dma_start3A_119 = tpu.memref_slice %arg10[%dma_start3A_117, %dma_start3A_118] : memref<1024x16xf32, #tpu.memory_space<vmem>> -> memref<112x16xf32, #tpu.memory_space<vmem>>
      %dma_start3A_120 = arith.constant 0 : i32
      %dma_start3A_121 = tpu.memref_slice %arg12[%add3A_37, %dma_start3A_120] : memref<100096x16xf32, #tpu.memory_space<vmem_shared>> -> memref<112x16xf32, #tpu.memory_space<vmem_shared>>
      %dma_start3A_122 = arith.constant 0 : i32
      %dma_start3A_123 = tpu.memref_slice %arg12[%add3A_37, %dma_start3A_122] : memref<100096x16xf32, #tpu.memory_space<vmem_shared>> -> memref<112x16xf32, #tpu.memory_space<vmem_shared>>
      %dma_start3A_124 = arith.constant 0 : i32
      %dma_start3A_125 = arith.constant 0 : i32
      %dma_start3A_126 = tpu.memref_slice %arg10[%dma_start3A_124, %dma_start3A_125] : memref<1024x16xf32, #tpu.memory_space<vmem>> -> memref<112x16xf32, #tpu.memory_space<vmem>>
      tpu.enqueue_dma source(%dma_start3A_126 : memref<112x16xf32, #tpu.memory_space<vmem>>) target(%dma_start3A_123 : memref<112x16xf32, #tpu.memory_space<vmem_shared>>) target_semaphore(%run_scoped3A : memref<!tpu.dma_semaphore, #tpu.memory_space<semaphore_mem>>)
      %dma_wait3A_127 = arith.constant 0 : i32
      %dma_wait3A_128 = arith.constant 0 : i32
      %dma_wait3A_129 = tpu.memref_slice %arg10[%dma_wait3A_127, %dma_wait3A_128] : memref<1024x16xf32, #tpu.memory_space<vmem>> -> memref<112x16xf32, #tpu.memory_space<vmem>>
      %dma_wait3A_130 = arith.constant 0 : i32
      %dma_wait3A_131 = tpu.memref_slice %arg12[%add3A_37, %dma_wait3A_130] : memref<100096x16xf32, #tpu.memory_space<vmem_shared>> -> memref<112x16xf32, #tpu.memory_space<vmem_shared>>
      %dma_wait3A_132 = arith.constant 0 : i32
      %dma_wait3A_133 = tpu.memref_slice %arg12[%add3A_37, %dma_wait3A_132] : memref<100096x16xf32, #tpu.memory_space<vmem_shared>> -> memref<112x16xf32, #tpu.memory_space<vmem_shared>>
      %dma_wait3A_134 = arith.constant 0 : i32
      %dma_wait3A_135 = arith.constant 0 : i32
      %dma_wait3A_136 = tpu.memref_slice %arg10[%dma_wait3A_134, %dma_wait3A_135] : memref<1024x16xf32, #tpu.memory_space<vmem>> -> memref<112x16xf32, #tpu.memory_space<vmem>>
      tpu.wait_dma2 semaphore(%run_scoped3A : memref<!tpu.dma_semaphore, #tpu.memory_space<semaphore_mem>>) src(%dma_wait3A_136 : memref<112x16xf32, #tpu.memory_space<vmem>>) dst(%dma_wait3A_133 : memref<112x16xf32, #tpu.memory_space<vmem_shared>>)
      tpu.yield
    }) : () -> ()
    %barrier3A = arith.constant 0 : index
    tpu.barrier barrier_id(%barrier3A)
    %mul3A_38 = arith.constant 400 : i32
    %mul3A_39 = arith.muli %add3A, %mul3A_38 : i32
    %add3A_40 = arith.constant 0 : i32
    %add3A_41 = arith.addi %mul3A_39, %add3A_40 : i32
    "tpu.region"() ({
      %run_scoped3A = tpu.sem_alloc : memref<!tpu.dma_semaphore, #tpu.memory_space<semaphore_mem>>
      %dma_start3A_117 = arith.constant 0 : i32
      %dma_start3A_118 = arith.constant 0 : i32
      %dma_start3A_119 = arith.constant 0 : i32
      %dma_start3A_120 = tpu.memref_slice %arg7[%dma_start3A_117, %dma_start3A_118, %dma_start3A_119] : memref<8x2x128xi32, #tpu.memory_space<vmem>> -> memref<4x2x128xi32, #tpu.memory_space<vmem>>
      %dma_start3A_121 = arith.constant 0 : i32
      %dma_start3A_122 = arith.constant 0 : i32
      %dma_start3A_123 = tpu.memref_slice %arg3[%add3A_41, %dma_start3A_121, %dma_start3A_122] : memref<12800x2x128xi32, #tpu.memory_space<hbm>> -> memref<4x2x128xi32, #tpu.memory_space<hbm>>
      %dma_start3A_124 = arith.constant 0 : i32
      %dma_start3A_125 = arith.constant 0 : i32
      %dma_start3A_126 = arith.constant 0 : i32
      %dma_start3A_127 = tpu.memref_slice %arg7[%dma_start3A_124, %dma_start3A_125, %dma_start3A_126] : memref<8x2x128xi32, #tpu.memory_space<vmem>> -> memref<4x2x128xi32, #tpu.memory_space<vmem>>
      %dma_start3A_128 = arith.constant 0 : i32
      %dma_start3A_129 = arith.constant 0 : i32
      %dma_start3A_130 = tpu.memref_slice %arg3[%add3A_41, %dma_start3A_128, %dma_start3A_129] : memref<12800x2x128xi32, #tpu.memory_space<hbm>> -> memref<4x2x128xi32, #tpu.memory_space<hbm>>
      tpu.enqueue_dma source(%dma_start3A_130 : memref<4x2x128xi32, #tpu.memory_space<hbm>>) target(%dma_start3A_127 : memref<4x2x128xi32, #tpu.memory_space<vmem>>) target_semaphore(%run_scoped3A : memref<!tpu.dma_semaphore, #tpu.memory_space<semaphore_mem>>)
      %dma_wait3A_131 = arith.constant 0 : i32
      %dma_wait3A_132 = arith.constant 0 : i32
      %dma_wait3A_133 = arith.constant 0 : i32
      %dma_wait3A_134 = tpu.memref_slice %arg7[%dma_wait3A_131, %dma_wait3A_132, %dma_wait3A_133] : memref<8x2x128xi32, #tpu.memory_space<vmem>> -> memref<4x2x128xi32, #tpu.memory_space<vmem>>
      %dma_wait3A_135 = arith.constant 0 : i32
      %dma_wait3A_136 = arith.constant 0 : i32
      %dma_wait3A_137 = tpu.memref_slice %arg3[%add3A_41, %dma_wait3A_135, %dma_wait3A_136] : memref<12800x2x128xi32, #tpu.memory_space<hbm>> -> memref<4x2x128xi32, #tpu.memory_space<hbm>>
      %dma_wait3A_138 = arith.constant 0 : i32
      %dma_wait3A_139 = arith.constant 0 : i32
      %dma_wait3A_140 = arith.constant 0 : i32
      %dma_wait3A_141 = tpu.memref_slice %arg7[%dma_wait3A_138, %dma_wait3A_139, %dma_wait3A_140] : memref<8x2x128xi32, #tpu.memory_space<vmem>> -> memref<4x2x128xi32, #tpu.memory_space<vmem>>
      %dma_wait3A_142 = arith.constant 0 : i32
      %dma_wait3A_143 = arith.constant 0 : i32
      %dma_wait3A_144 = tpu.memref_slice %arg3[%add3A_41, %dma_wait3A_142, %dma_wait3A_143] : memref<12800x2x128xi32, #tpu.memory_space<hbm>> -> memref<4x2x128xi32, #tpu.memory_space<hbm>>
      tpu.wait_dma2 semaphore(%run_scoped3A : memref<!tpu.dma_semaphore, #tpu.memory_space<semaphore_mem>>) src(%dma_wait3A_144 : memref<4x2x128xi32, #tpu.memory_space<hbm>>) dst(%dma_wait3A_141 : memref<4x2x128xi32, #tpu.memory_space<vmem>>)
      tpu.yield
    }) : () -> ()
    %mul3A_42 = arith.constant 128 : i32
    %mul3A_43 = arith.muli %add3A_41, %mul3A_42 : i32
    "tpu.region"() ({
      %run_scoped3A = tpu.sem_alloc : memref<!tpu.dma_semaphore, #tpu.memory_space<semaphore_mem>>
      %dma_start3A_117 = tpu.memref_slice %arg4[%mul3A_43] : memref<1638400xf32, #tpu.memory_space<hbm>> -> memref<512xf32, #tpu.memory_space<hbm>>
      %dma_start3A_118 = tpu.memref_slice %arg4[%mul3A_43] : memref<1638400xf32, #tpu.memory_space<hbm>> -> memref<512xf32, #tpu.memory_space<hbm>>
      tpu.enqueue_dma source(%dma_start3A_118 : memref<512xf32, #tpu.memory_space<hbm>>) target(%arg8 : memref<512xf32, #tpu.memory_space<vmem>>) target_semaphore(%run_scoped3A : memref<!tpu.dma_semaphore, #tpu.memory_space<semaphore_mem>>)
      %dma_wait3A_119 = tpu.memref_slice %arg4[%mul3A_43] : memref<1638400xf32, #tpu.memory_space<hbm>> -> memref<512xf32, #tpu.memory_space<hbm>>
      %dma_wait3A_120 = tpu.memref_slice %arg4[%mul3A_43] : memref<1638400xf32, #tpu.memory_space<hbm>> -> memref<512xf32, #tpu.memory_space<hbm>>
      tpu.wait_dma2 semaphore(%run_scoped3A : memref<!tpu.dma_semaphore, #tpu.memory_space<semaphore_mem>>) src(%dma_wait3A_120 : memref<512xf32, #tpu.memory_space<hbm>>) dst(%arg8 : memref<512xf32, #tpu.memory_space<vmem>>)
      tpu.yield
    }) : () -> ()
    %dma_start3A = arith.constant 0 : i32
    %dma_start3A_44 = arith.constant 0 : i32
    %dma_start3A_45 = arith.constant 0 : i32
    %dma_start3A_46 = arith.constant 0 : i32
    %dma_start3A_47 = tpu.memref_slice %arg10[%dma_start3A_45, %dma_start3A_46] : memref<1024x16xf32, #tpu.memory_space<vmem>> -> memref<128x16xf32, #tpu.memory_space<vmem>>
    %dma_start3A_48 = arith.constant 0 : i32
    %dma_start3A_49 = tpu.memref_slice %arg7[%dma_start3A, %dma_start3A_44, %dma_start3A_48] : memref<8x2x128xi32, #tpu.memory_space<vmem>> -> memref<1x1x128xi32, #tpu.memory_space<vmem>>
    %dma_start3A_50 = tpu.memref_squeeze %dma_start3A_49 : memref<1x1x128xi32, #tpu.memory_space<vmem>> -> memref<128xi32, #tpu.memory_space<vmem>>
    %dma_start3A_51 = arith.constant 0 : i32
    %dma_start3A_52 = arith.constant 0 : i32
    %dma_start3A_53 = tpu.memref_slice %arg2[%dma_start3A_51, %dma_start3A_52] : memref<100000x16xf32, #tpu.memory_space<hbm>> -> memref<100000x16xf32, #tpu.memory_space<hbm>>
    tpu.enqueue_indirect_dma source(%dma_start3A_53 : memref<100000x16xf32, #tpu.memory_space<hbm>>) target(%dma_start3A_47 : memref<128x16xf32, #tpu.memory_space<vmem>>) offsets(%dma_start3A_50 : memref<128xi32, #tpu.memory_space<vmem>>) semaphore(%arg13 : memref<!tpu.dma_semaphore, #tpu.memory_space<semaphore_mem>>)
    %dma_start3A_54 = arith.constant 1 : i32
    %dma_start3A_55 = arith.constant 0 : i32
    %dma_start3A_56 = arith.constant 128 : i32
    %dma_start3A_57 = arith.constant 0 : i32
    %dma_start3A_58 = tpu.memref_slice %arg10[%dma_start3A_56, %dma_start3A_57] : memref<1024x16xf32, #tpu.memory_space<vmem>> -> memref<128x16xf32, #tpu.memory_space<vmem>>
    %dma_start3A_59 = arith.constant 0 : i32
    %dma_start3A_60 = tpu.memref_slice %arg7[%dma_start3A_54, %dma_start3A_55, %dma_start3A_59] : memref<8x2x128xi32, #tpu.memory_space<vmem>> -> memref<1x1x128xi32, #tpu.memory_space<vmem>>
    %dma_start3A_61 = tpu.memref_squeeze %dma_start3A_60 : memref<1x1x128xi32, #tpu.memory_space<vmem>> -> memref<128xi32, #tpu.memory_space<vmem>>
    %dma_start3A_62 = arith.constant 0 : i32
    %dma_start3A_63 = arith.constant 0 : i32
    %dma_start3A_64 = tpu.memref_slice %arg2[%dma_start3A_62, %dma_start3A_63] : memref<100000x16xf32, #tpu.memory_space<hbm>> -> memref<100000x16xf32, #tpu.memory_space<hbm>>
    tpu.enqueue_indirect_dma source(%dma_start3A_64 : memref<100000x16xf32, #tpu.memory_space<hbm>>) target(%dma_start3A_58 : memref<128x16xf32, #tpu.memory_space<vmem>>) offsets(%dma_start3A_61 : memref<128xi32, #tpu.memory_space<vmem>>) semaphore(%arg13 : memref<!tpu.dma_semaphore, #tpu.memory_space<semaphore_mem>>)
    %dma_start3A_65 = arith.constant 2 : i32
    %dma_start3A_66 = arith.constant 0 : i32
    %dma_start3A_67 = arith.constant 256 : i32
    %dma_start3A_68 = arith.constant 0 : i32
    %dma_start3A_69 = tpu.memref_slice %arg10[%dma_start3A_67, %dma_start3A_68] : memref<1024x16xf32, #tpu.memory_space<vmem>> -> memref<128x16xf32, #tpu.memory_space<vmem>>
    %dma_start3A_70 = arith.constant 0 : i32
    %dma_start3A_71 = tpu.memref_slice %arg7[%dma_start3A_65, %dma_start3A_66, %dma_start3A_70] : memref<8x2x128xi32, #tpu.memory_space<vmem>> -> memref<1x1x128xi32, #tpu.memory_space<vmem>>
    %dma_start3A_72 = tpu.memref_squeeze %dma_start3A_71 : memref<1x1x128xi32, #tpu.memory_space<vmem>> -> memref<128xi32, #tpu.memory_space<vmem>>
    %dma_start3A_73 = arith.constant 0 : i32
    %dma_start3A_74 = arith.constant 0 : i32
    %dma_start3A_75 = tpu.memref_slice %arg2[%dma_start3A_73, %dma_start3A_74] : memref<100000x16xf32, #tpu.memory_space<hbm>> -> memref<100000x16xf32, #tpu.memory_space<hbm>>
    tpu.enqueue_indirect_dma source(%dma_start3A_75 : memref<100000x16xf32, #tpu.memory_space<hbm>>) target(%dma_start3A_69 : memref<128x16xf32, #tpu.memory_space<vmem>>) offsets(%dma_start3A_72 : memref<128xi32, #tpu.memory_space<vmem>>) semaphore(%arg13 : memref<!tpu.dma_semaphore, #tpu.memory_space<semaphore_mem>>)
    %dma_start3A_76 = arith.constant 3 : i32
    %dma_start3A_77 = arith.constant 0 : i32
    %dma_start3A_78 = arith.constant 384 : i32
    %dma_start3A_79 = arith.constant 0 : i32
    %dma_start3A_80 = tpu.memref_slice %arg10[%dma_start3A_78, %dma_start3A_79] : memref<1024x16xf32, #tpu.memory_space<vmem>> -> memref<128x16xf32, #tpu.memory_space<vmem>>
    %dma_start3A_81 = arith.constant 0 : i32
    %dma_start3A_82 = tpu.memref_slice %arg7[%dma_start3A_76, %dma_start3A_77, %dma_start3A_81] : memref<8x2x128xi32, #tpu.memory_space<vmem>> -> memref<1x1x128xi32, #tpu.memory_space<vmem>>
    %dma_start3A_83 = tpu.memref_squeeze %dma_start3A_82 : memref<1x1x128xi32, #tpu.memory_space<vmem>> -> memref<128xi32, #tpu.memory_space<vmem>>
    %dma_start3A_84 = arith.constant 0 : i32
    %dma_start3A_85 = arith.constant 0 : i32
    %dma_start3A_86 = tpu.memref_slice %arg2[%dma_start3A_84, %dma_start3A_85] : memref<100000x16xf32, #tpu.memory_space<hbm>> -> memref<100000x16xf32, #tpu.memory_space<hbm>>
    tpu.enqueue_indirect_dma source(%dma_start3A_86 : memref<100000x16xf32, #tpu.memory_space<hbm>>) target(%dma_start3A_80 : memref<128x16xf32, #tpu.memory_space<vmem>>) offsets(%dma_start3A_83 : memref<128xi32, #tpu.memory_space<vmem>>) semaphore(%arg13 : memref<!tpu.dma_semaphore, #tpu.memory_space<semaphore_mem>>)
    %scan3A = arith.constant 0 : i32
    %scan3A_87 = arith.constant 0 : i32
    %scan3A_88 = arith.constant 100 : i32
    %scan3A_89 = arith.addi %scan3A_87, %scan3A_88 : i32
    %scan3A_90 = arith.constant 1 : i32
    %scan3A_91 = scf.for %scan3A_117 = %scan3A_87 to %scan3A_89 step %scan3A_90 iter_args(%scan3A_118 = %scan3A) -> (i32)  : i32 {
      %rem3A = arith.constant 2 : i32
      %rem3A_119 = arith.remsi %scan3A_117, %rem3A : i32
      %add3A_120 = arith.constant 1 : i32
      %add3A_121 = arith.addi %scan3A_117, %add3A_120 : i32
      %lt3A = arith.constant 100 : i32
      %lt3A_122 = arith.cmpi slt, %add3A_121, %lt3A : i32
      %convert_element_type3A = arith.extui %lt3A_122 : i1 to i32
      %cond3A = arith.constant 0 : i32
      %cond3A_123 = arith.cmpi ne, %convert_element_type3A, %cond3A : i32
      scf.if %cond3A_123 {
        %ge3A = arith.constant 1 : i32
        %ge3A_134 = arith.cmpi sge, %scan3A_117, %ge3A : i32
        %convert_element_type3A_135 = arith.extui %ge3A_134 : i1 to i32
        %cond3A_136 = arith.constant 0 : i32
        %cond3A_137 = arith.cmpi ne, %convert_element_type3A_135, %cond3A_136 : i32
        scf.if %cond3A_137 {
          %ne3A_147 = arith.constant 0 : i32
          %ne3A_148 = arith.cmpi ne, %rem3A_119, %ne3A_147 : i32
          %convert_element_type3A_149 = arith.extui %ne3A_148 : i1 to i32
          %cond3A_150 = arith.constant 0 : i32
          %cond3A_151 = arith.cmpi ne, %convert_element_type3A_149, %cond3A_150 : i32
          scf.if %cond3A_151 {
            %dma_wait3A_157 = arith.constant 0 : i32
            %dma_wait3A_158 = arith.constant 0 : i32
            %dma_wait3A_159 = tpu.memref_slice %arg10[%dma_wait3A_157, %dma_wait3A_158] : memref<1024x16xf32, #tpu.memory_space<vmem>> -> memref<512x16xf32, #tpu.memory_space<vmem>>
            %dma_wait3A_160 = arith.constant 0 : i32
            %dma_wait3A_161 = arith.constant 0 : i32
            %dma_wait3A_162 = tpu.memref_slice %arg2[%dma_wait3A_160, %dma_wait3A_161] : memref<100000x16xf32, #tpu.memory_space<hbm>> -> memref<512x16xf32, #tpu.memory_space<hbm>>
            %dma_wait3A_163 = arith.constant 0 : i32
            %dma_wait3A_164 = arith.constant 0 : i32
            %dma_wait3A_165 = tpu.memref_slice %arg10[%dma_wait3A_163, %dma_wait3A_164] : memref<1024x16xf32, #tpu.memory_space<vmem>> -> memref<512x16xf32, #tpu.memory_space<vmem>>
            %dma_wait3A_166 = arith.constant 0 : i32
            %dma_wait3A_167 = arith.constant 0 : i32
            %dma_wait3A_168 = tpu.memref_slice %arg2[%dma_wait3A_166, %dma_wait3A_167] : memref<100000x16xf32, #tpu.memory_space<hbm>> -> memref<512x16xf32, #tpu.memory_space<hbm>>
            tpu.wait_dma2 semaphore(%arg15 : memref<!tpu.dma_semaphore, #tpu.memory_space<semaphore_mem>>) src(%dma_wait3A_168 : memref<512x16xf32, #tpu.memory_space<hbm>>) dst(%dma_wait3A_165 : memref<512x16xf32, #tpu.memory_space<vmem>>)
          } else {
          }
          %ne3A_152 = arith.constant 1 : i32
          %ne3A_153 = arith.cmpi ne, %rem3A_119, %ne3A_152 : i32
          %convert_element_type3A_154 = arith.extui %ne3A_153 : i1 to i32
          %cond3A_155 = arith.constant 0 : i32
          %cond3A_156 = arith.cmpi ne, %convert_element_type3A_154, %cond3A_155 : i32
          scf.if %cond3A_156 {
            %dma_wait3A_157 = arith.constant 512 : i32
            %dma_wait3A_158 = arith.constant 0 : i32
            %dma_wait3A_159 = tpu.memref_slice %arg10[%dma_wait3A_157, %dma_wait3A_158] : memref<1024x16xf32, #tpu.memory_space<vmem>> -> memref<512x16xf32, #tpu.memory_space<vmem>>
            %dma_wait3A_160 = arith.constant 0 : i32
            %dma_wait3A_161 = arith.constant 0 : i32
            %dma_wait3A_162 = tpu.memref_slice %arg2[%dma_wait3A_160, %dma_wait3A_161] : memref<100000x16xf32, #tpu.memory_space<hbm>> -> memref<512x16xf32, #tpu.memory_space<hbm>>
            %dma_wait3A_163 = arith.constant 512 : i32
            %dma_wait3A_164 = arith.constant 0 : i32
            %dma_wait3A_165 = tpu.memref_slice %arg10[%dma_wait3A_163, %dma_wait3A_164] : memref<1024x16xf32, #tpu.memory_space<vmem>> -> memref<512x16xf32, #tpu.memory_space<vmem>>
            %dma_wait3A_166 = arith.constant 0 : i32
            %dma_wait3A_167 = arith.constant 0 : i32
            %dma_wait3A_168 = tpu.memref_slice %arg2[%dma_wait3A_166, %dma_wait3A_167] : memref<100000x16xf32, #tpu.memory_space<hbm>> -> memref<512x16xf32, #tpu.memory_space<hbm>>
            tpu.wait_dma2 semaphore(%arg16 : memref<!tpu.dma_semaphore, #tpu.memory_space<semaphore_mem>>) src(%dma_wait3A_168 : memref<512x16xf32, #tpu.memory_space<hbm>>) dst(%dma_wait3A_165 : memref<512x16xf32, #tpu.memory_space<vmem>>)
          } else {
          }
        } else {
        }
        %ne3A = arith.constant 0 : i32
        %ne3A_138 = arith.cmpi ne, %rem3A_119, %ne3A : i32
        %convert_element_type3A_139 = arith.extui %ne3A_138 : i1 to i32
        %cond3A_140 = arith.constant 0 : i32
        %cond3A_141 = arith.cmpi ne, %convert_element_type3A_139, %cond3A_140 : i32
        scf.if %cond3A_141 {
          %add3A_147 = arith.constant 1 : i32
          %add3A_148 = arith.addi %scan3A_117, %add3A_147 : i32
          %mul3A_149 = arith.constant 4 : i32
          %mul3A_150 = arith.muli %add3A_148, %mul3A_149 : i32
          %add3A_151 = arith.addi %mul3A_39, %mul3A_150 : i32
          "tpu.region"() ({
            %run_scoped3A = tpu.sem_alloc : memref<!tpu.dma_semaphore, #tpu.memory_space<semaphore_mem>>
            %dma_start3A_198 = arith.constant 0 : i32
            %dma_start3A_199 = arith.constant 0 : i32
            %dma_start3A_200 = arith.constant 0 : i32
            %dma_start3A_201 = tpu.memref_slice %arg7[%dma_start3A_198, %dma_start3A_199, %dma_start3A_200] : memref<8x2x128xi32, #tpu.memory_space<vmem>> -> memref<4x2x128xi32, #tpu.memory_space<vmem>>
            %dma_start3A_202 = arith.constant 0 : i32
            %dma_start3A_203 = arith.constant 0 : i32
            %dma_start3A_204 = tpu.memref_slice %arg3[%add3A_151, %dma_start3A_202, %dma_start3A_203] : memref<12800x2x128xi32, #tpu.memory_space<hbm>> -> memref<4x2x128xi32, #tpu.memory_space<hbm>>
            %dma_start3A_205 = arith.constant 0 : i32
            %dma_start3A_206 = arith.constant 0 : i32
            %dma_start3A_207 = arith.constant 0 : i32
            %dma_start3A_208 = tpu.memref_slice %arg7[%dma_start3A_205, %dma_start3A_206, %dma_start3A_207] : memref<8x2x128xi32, #tpu.memory_space<vmem>> -> memref<4x2x128xi32, #tpu.memory_space<vmem>>
            %dma_start3A_209 = arith.constant 0 : i32
            %dma_start3A_210 = arith.constant 0 : i32
            %dma_start3A_211 = tpu.memref_slice %arg3[%add3A_151, %dma_start3A_209, %dma_start3A_210] : memref<12800x2x128xi32, #tpu.memory_space<hbm>> -> memref<4x2x128xi32, #tpu.memory_space<hbm>>
            tpu.enqueue_dma source(%dma_start3A_211 : memref<4x2x128xi32, #tpu.memory_space<hbm>>) target(%dma_start3A_208 : memref<4x2x128xi32, #tpu.memory_space<vmem>>) target_semaphore(%run_scoped3A : memref<!tpu.dma_semaphore, #tpu.memory_space<semaphore_mem>>)
            %dma_wait3A_212 = arith.constant 0 : i32
            %dma_wait3A_213 = arith.constant 0 : i32
            %dma_wait3A_214 = arith.constant 0 : i32
            %dma_wait3A_215 = tpu.memref_slice %arg7[%dma_wait3A_212, %dma_wait3A_213, %dma_wait3A_214] : memref<8x2x128xi32, #tpu.memory_space<vmem>> -> memref<4x2x128xi32, #tpu.memory_space<vmem>>
            %dma_wait3A_216 = arith.constant 0 : i32
            %dma_wait3A_217 = arith.constant 0 : i32
            %dma_wait3A_218 = tpu.memref_slice %arg3[%add3A_151, %dma_wait3A_216, %dma_wait3A_217] : memref<12800x2x128xi32, #tpu.memory_space<hbm>> -> memref<4x2x128xi32, #tpu.memory_space<hbm>>
            %dma_wait3A_219 = arith.constant 0 : i32
            %dma_wait3A_220 = arith.constant 0 : i32
            %dma_wait3A_221 = arith.constant 0 : i32
            %dma_wait3A_222 = tpu.memref_slice %arg7[%dma_wait3A_219, %dma_wait3A_220, %dma_wait3A_221] : memref<8x2x128xi32, #tpu.memory_space<vmem>> -> memref<4x2x128xi32, #tpu.memory_space<vmem>>
            %dma_wait3A_223 = arith.constant 0 : i32
            %dma_wait3A_224 = arith.constant 0 : i32
            %dma_wait3A_225 = tpu.memref_slice %arg3[%add3A_151, %dma_wait3A_223, %dma_wait3A_224] : memref<12800x2x128xi32, #tpu.memory_space<hbm>> -> memref<4x2x128xi32, #tpu.memory_space<hbm>>
            tpu.wait_dma2 semaphore(%run_scoped3A : memref<!tpu.dma_semaphore, #tpu.memory_space<semaphore_mem>>) src(%dma_wait3A_225 : memref<4x2x128xi32, #tpu.memory_space<hbm>>) dst(%dma_wait3A_222 : memref<4x2x128xi32, #tpu.memory_space<vmem>>)
            tpu.yield
          }) : () -> ()
          %mul3A_152 = arith.constant 128 : i32
          %mul3A_153 = arith.muli %add3A_151, %mul3A_152 : i32
          "tpu.region"() ({
            %run_scoped3A = tpu.sem_alloc : memref<!tpu.dma_semaphore, #tpu.memory_space<semaphore_mem>>
            %dma_start3A_198 = tpu.memref_slice %arg4[%mul3A_153] : memref<1638400xf32, #tpu.memory_space<hbm>> -> memref<512xf32, #tpu.memory_space<hbm>>
            %dma_start3A_199 = tpu.memref_slice %arg4[%mul3A_153] : memref<1638400xf32, #tpu.memory_space<hbm>> -> memref<512xf32, #tpu.memory_space<hbm>>
            tpu.enqueue_dma source(%dma_start3A_199 : memref<512xf32, #tpu.memory_space<hbm>>) target(%arg8 : memref<512xf32, #tpu.memory_space<vmem>>) target_semaphore(%run_scoped3A : memref<!tpu.dma_semaphore, #tpu.memory_space<semaphore_mem>>)
            %dma_wait3A_200 = tpu.memref_slice %arg4[%mul3A_153] : memref<1638400xf32, #tpu.memory_space<hbm>> -> memref<512xf32, #tpu.memory_space<hbm>>
            %dma_wait3A_201 = tpu.memref_slice %arg4[%mul3A_153] : memref<1638400xf32, #tpu.memory_space<hbm>> -> memref<512xf32, #tpu.memory_space<hbm>>
            tpu.wait_dma2 semaphore(%run_scoped3A : memref<!tpu.dma_semaphore, #tpu.memory_space<semaphore_mem>>) src(%dma_wait3A_201 : memref<512xf32, #tpu.memory_space<hbm>>) dst(%arg8 : memref<512xf32, #tpu.memory_space<vmem>>)
            tpu.yield
          }) : () -> ()
          %dma_start3A_154 = arith.constant 0 : i32
          %dma_start3A_155 = arith.constant 0 : i32
          %dma_start3A_156 = arith.constant 0 : i32
          %dma_start3A_157 = arith.constant 0 : i32
          %dma_start3A_158 = tpu.memref_slice %arg10[%dma_start3A_156, %dma_start3A_157] : memref<1024x16xf32, #tpu.memory_space<vmem>> -> memref<128x16xf32, #tpu.memory_space<vmem>>
          %dma_start3A_159 = arith.constant 0 : i32
          %dma_start3A_160 = tpu.memref_slice %arg7[%dma_start3A_154, %dma_start3A_155, %dma_start3A_159] : memref<8x2x128xi32, #tpu.memory_space<vmem>> -> memref<1x1x128xi32, #tpu.memory_space<vmem>>
          %dma_start3A_161 = tpu.memref_squeeze %dma_start3A_160 : memref<1x1x128xi32, #tpu.memory_space<vmem>> -> memref<128xi32, #tpu.memory_space<vmem>>
          %dma_start3A_162 = arith.constant 0 : i32
          %dma_start3A_163 = arith.constant 0 : i32
          %dma_start3A_164 = tpu.memref_slice %arg2[%dma_start3A_162, %dma_start3A_163] : memref<100000x16xf32, #tpu.memory_space<hbm>> -> memref<100000x16xf32, #tpu.memory_space<hbm>>
          tpu.enqueue_indirect_dma source(%dma_start3A_164 : memref<100000x16xf32, #tpu.memory_space<hbm>>) target(%dma_start3A_158 : memref<128x16xf32, #tpu.memory_space<vmem>>) offsets(%dma_start3A_161 : memref<128xi32, #tpu.memory_space<vmem>>) semaphore(%arg13 : memref<!tpu.dma_semaphore, #tpu.memory_space<semaphore_mem>>)
          %dma_start3A_165 = arith.constant 1 : i32
          %dma_start3A_166 = arith.constant 0 : i32
          %dma_start3A_167 = arith.constant 128 : i32
          %dma_start3A_168 = arith.constant 0 : i32
          %dma_start3A_169 = tpu.memref_slice %arg10[%dma_start3A_167, %dma_start3A_168] : memref<1024x16xf32, #tpu.memory_space<vmem>> -> memref<128x16xf32, #tpu.memory_space<vmem>>
          %dma_start3A_170 = arith.constant 0 : i32
          %dma_start3A_171 = tpu.memref_slice %arg7[%dma_start3A_165, %dma_start3A_166, %dma_start3A_170] : memref<8x2x128xi32, #tpu.memory_space<vmem>> -> memref<1x1x128xi32, #tpu.memory_space<vmem>>
          %dma_start3A_172 = tpu.memref_squeeze %dma_start3A_171 : memref<1x1x128xi32, #tpu.memory_space<vmem>> -> memref<128xi32, #tpu.memory_space<vmem>>
          %dma_start3A_173 = arith.constant 0 : i32
          %dma_start3A_174 = arith.constant 0 : i32
          %dma_start3A_175 = tpu.memref_slice %arg2[%dma_start3A_173, %dma_start3A_174] : memref<100000x16xf32, #tpu.memory_space<hbm>> -> memref<100000x16xf32, #tpu.memory_space<hbm>>
          tpu.enqueue_indirect_dma source(%dma_start3A_175 : memref<100000x16xf32, #tpu.memory_space<hbm>>) target(%dma_start3A_169 : memref<128x16xf32, #tpu.memory_space<vmem>>) offsets(%dma_start3A_172 : memref<128xi32, #tpu.memory_space<vmem>>) semaphore(%arg13 : memref<!tpu.dma_semaphore, #tpu.memory_space<semaphore_mem>>)
          %dma_start3A_176 = arith.constant 2 : i32
          %dma_start3A_177 = arith.constant 0 : i32
          %dma_start3A_178 = arith.constant 256 : i32
          %dma_start3A_179 = arith.constant 0 : i32
          %dma_start3A_180 = tpu.memref_slice %arg10[%dma_start3A_178, %dma_start3A_179] : memref<1024x16xf32, #tpu.memory_space<vmem>> -> memref<128x16xf32, #tpu.memory_space<vmem>>
          %dma_start3A_181 = arith.constant 0 : i32
          %dma_start3A_182 = tpu.memref_slice %arg7[%dma_start3A_176, %dma_start3A_177, %dma_start3A_181] : memref<8x2x128xi32, #tpu.memory_space<vmem>> -> memref<1x1x128xi32, #tpu.memory_space<vmem>>
          %dma_start3A_183 = tpu.memref_squeeze %dma_start3A_182 : memref<1x1x128xi32, #tpu.memory_space<vmem>> -> memref<128xi32, #tpu.memory_space<vmem>>
          %dma_start3A_184 = arith.constant 0 : i32
          %dma_start3A_185 = arith.constant 0 : i32
          %dma_start3A_186 = tpu.memref_slice %arg2[%dma_start3A_184, %dma_start3A_185] : memref<100000x16xf32, #tpu.memory_space<hbm>> -> memref<100000x16xf32, #tpu.memory_space<hbm>>
          tpu.enqueue_indirect_dma source(%dma_start3A_186 : memref<100000x16xf32, #tpu.memory_space<hbm>>) target(%dma_start3A_180 : memref<128x16xf32, #tpu.memory_space<vmem>>) offsets(%dma_start3A_183 : memref<128xi32, #tpu.memory_space<vmem>>) semaphore(%arg13 : memref<!tpu.dma_semaphore, #tpu.memory_space<semaphore_mem>>)
          %dma_start3A_187 = arith.constant 3 : i32
          %dma_start3A_188 = arith.constant 0 : i32
          %dma_start3A_189 = arith.constant 384 : i32
          %dma_start3A_190 = arith.constant 0 : i32
          %dma_start3A_191 = tpu.memref_slice %arg10[%dma_start3A_189, %dma_start3A_190] : memref<1024x16xf32, #tpu.memory_space<vmem>> -> memref<128x16xf32, #tpu.memory_space<vmem>>
          %dma_start3A_192 = arith.constant 0 : i32
          %dma_start3A_193 = tpu.memref_slice %arg7[%dma_start3A_187, %dma_start3A_188, %dma_start3A_192] : memref<8x2x128xi32, #tpu.memory_space<vmem>> -> memref<1x1x128xi32, #tpu.memory_space<vmem>>
          %dma_start3A_194 = tpu.memref_squeeze %dma_start3A_193 : memref<1x1x128xi32, #tpu.memory_space<vmem>> -> memref<128xi32, #tpu.memory_space<vmem>>
          %dma_start3A_195 = arith.constant 0 : i32
          %dma_start3A_196 = arith.constant 0 : i32
          %dma_start3A_197 = tpu.memref_slice %arg2[%dma_start3A_195, %dma_start3A_196] : memref<100000x16xf32, #tpu.memory_space<hbm>> -> memref<100000x16xf32, #tpu.memory_space<hbm>>
          tpu.enqueue_indirect_dma source(%dma_start3A_197 : memref<100000x16xf32, #tpu.memory_space<hbm>>) target(%dma_start3A_191 : memref<128x16xf32, #tpu.memory_space<vmem>>) offsets(%dma_start3A_194 : memref<128xi32, #tpu.memory_space<vmem>>) semaphore(%arg13 : memref<!tpu.dma_semaphore, #tpu.memory_space<semaphore_mem>>)
        } else {
        }
        %ne3A_142 = arith.constant 1 : i32
        %ne3A_143 = arith.cmpi ne, %rem3A_119, %ne3A_142 : i32
        %convert_element_type3A_144 = arith.extui %ne3A_143 : i1 to i32
        %cond3A_145 = arith.constant 0 : i32
        %cond3A_146 = arith.cmpi ne, %convert_element_type3A_144, %cond3A_145 : i32
        scf.if %cond3A_146 {
          %add3A_147 = arith.constant 1 : i32
          %add3A_148 = arith.addi %scan3A_117, %add3A_147 : i32
          %mul3A_149 = arith.constant 4 : i32
          %mul3A_150 = arith.muli %add3A_148, %mul3A_149 : i32
          %add3A_151 = arith.addi %mul3A_39, %mul3A_150 : i32
          "tpu.region"() ({
            %run_scoped3A = tpu.sem_alloc : memref<!tpu.dma_semaphore, #tpu.memory_space<semaphore_mem>>
            %dma_start3A_198 = arith.constant 4 : i32
            %dma_start3A_199 = arith.constant 0 : i32
            %dma_start3A_200 = arith.constant 0 : i32
            %dma_start3A_201 = tpu.memref_slice %arg7[%dma_start3A_198, %dma_start3A_199, %dma_start3A_200] : memref<8x2x128xi32, #tpu.memory_space<vmem>> -> memref<4x2x128xi32, #tpu.memory_space<vmem>>
            %dma_start3A_202 = arith.constant 0 : i32
            %dma_start3A_203 = arith.constant 0 : i32
            %dma_start3A_204 = tpu.memref_slice %arg3[%add3A_151, %dma_start3A_202, %dma_start3A_203] : memref<12800x2x128xi32, #tpu.memory_space<hbm>> -> memref<4x2x128xi32, #tpu.memory_space<hbm>>
            %dma_start3A_205 = arith.constant 4 : i32
            %dma_start3A_206 = arith.constant 0 : i32
            %dma_start3A_207 = arith.constant 0 : i32
            %dma_start3A_208 = tpu.memref_slice %arg7[%dma_start3A_205, %dma_start3A_206, %dma_start3A_207] : memref<8x2x128xi32, #tpu.memory_space<vmem>> -> memref<4x2x128xi32, #tpu.memory_space<vmem>>
            %dma_start3A_209 = arith.constant 0 : i32
            %dma_start3A_210 = arith.constant 0 : i32
            %dma_start3A_211 = tpu.memref_slice %arg3[%add3A_151, %dma_start3A_209, %dma_start3A_210] : memref<12800x2x128xi32, #tpu.memory_space<hbm>> -> memref<4x2x128xi32, #tpu.memory_space<hbm>>
            tpu.enqueue_dma source(%dma_start3A_211 : memref<4x2x128xi32, #tpu.memory_space<hbm>>) target(%dma_start3A_208 : memref<4x2x128xi32, #tpu.memory_space<vmem>>) target_semaphore(%run_scoped3A : memref<!tpu.dma_semaphore, #tpu.memory_space<semaphore_mem>>)
            %dma_wait3A_212 = arith.constant 4 : i32
            %dma_wait3A_213 = arith.constant 0 : i32
            %dma_wait3A_214 = arith.constant 0 : i32
            %dma_wait3A_215 = tpu.memref_slice %arg7[%dma_wait3A_212, %dma_wait3A_213, %dma_wait3A_214] : memref<8x2x128xi32, #tpu.memory_space<vmem>> -> memref<4x2x128xi32, #tpu.memory_space<vmem>>
            %dma_wait3A_216 = arith.constant 0 : i32
            %dma_wait3A_217 = arith.constant 0 : i32
            %dma_wait3A_218 = tpu.memref_slice %arg3[%add3A_151, %dma_wait3A_216, %dma_wait3A_217] : memref<12800x2x128xi32, #tpu.memory_space<hbm>> -> memref<4x2x128xi32, #tpu.memory_space<hbm>>
            %dma_wait3A_219 = arith.constant 4 : i32
            %dma_wait3A_220 = arith.constant 0 : i32
            %dma_wait3A_221 = arith.constant 0 : i32
            %dma_wait3A_222 = tpu.memref_slice %arg7[%dma_wait3A_219, %dma_wait3A_220, %dma_wait3A_221] : memref<8x2x128xi32, #tpu.memory_space<vmem>> -> memref<4x2x128xi32, #tpu.memory_space<vmem>>
            %dma_wait3A_223 = arith.constant 0 : i32
            %dma_wait3A_224 = arith.constant 0 : i32
            %dma_wait3A_225 = tpu.memref_slice %arg3[%add3A_151, %dma_wait3A_223, %dma_wait3A_224] : memref<12800x2x128xi32, #tpu.memory_space<hbm>> -> memref<4x2x128xi32, #tpu.memory_space<hbm>>
            tpu.wait_dma2 semaphore(%run_scoped3A : memref<!tpu.dma_semaphore, #tpu.memory_space<semaphore_mem>>) src(%dma_wait3A_225 : memref<4x2x128xi32, #tpu.memory_space<hbm>>) dst(%dma_wait3A_222 : memref<4x2x128xi32, #tpu.memory_space<vmem>>)
            tpu.yield
          }) : () -> ()
          %mul3A_152 = arith.constant 128 : i32
          %mul3A_153 = arith.muli %add3A_151, %mul3A_152 : i32
          "tpu.region"() ({
            %run_scoped3A = tpu.sem_alloc : memref<!tpu.dma_semaphore, #tpu.memory_space<semaphore_mem>>
            %dma_start3A_198 = tpu.memref_slice %arg4[%mul3A_153] : memref<1638400xf32, #tpu.memory_space<hbm>> -> memref<512xf32, #tpu.memory_space<hbm>>
            %dma_start3A_199 = tpu.memref_slice %arg4[%mul3A_153] : memref<1638400xf32, #tpu.memory_space<hbm>> -> memref<512xf32, #tpu.memory_space<hbm>>
            tpu.enqueue_dma source(%dma_start3A_199 : memref<512xf32, #tpu.memory_space<hbm>>) target(%arg9 : memref<512xf32, #tpu.memory_space<vmem>>) target_semaphore(%run_scoped3A : memref<!tpu.dma_semaphore, #tpu.memory_space<semaphore_mem>>)
            %dma_wait3A_200 = tpu.memref_slice %arg4[%mul3A_153] : memref<1638400xf32, #tpu.memory_space<hbm>> -> memref<512xf32, #tpu.memory_space<hbm>>
            %dma_wait3A_201 = tpu.memref_slice %arg4[%mul3A_153] : memref<1638400xf32, #tpu.memory_space<hbm>> -> memref<512xf32, #tpu.memory_space<hbm>>
            tpu.wait_dma2 semaphore(%run_scoped3A : memref<!tpu.dma_semaphore, #tpu.memory_space<semaphore_mem>>) src(%dma_wait3A_201 : memref<512xf32, #tpu.memory_space<hbm>>) dst(%arg9 : memref<512xf32, #tpu.memory_space<vmem>>)
            tpu.yield
          }) : () -> ()
          %dma_start3A_154 = arith.constant 4 : i32
          %dma_start3A_155 = arith.constant 0 : i32
          %dma_start3A_156 = arith.constant 512 : i32
          %dma_start3A_157 = arith.constant 0 : i32
          %dma_start3A_158 = tpu.memref_slice %arg10[%dma_start3A_156, %dma_start3A_157] : memref<1024x16xf32, #tpu.memory_space<vmem>> -> memref<128x16xf32, #tpu.memory_space<vmem>>
          %dma_start3A_159 = arith.constant 0 : i32
          %dma_start3A_160 = tpu.memref_slice %arg7[%dma_start3A_154, %dma_start3A_155, %dma_start3A_159] : memref<8x2x128xi32, #tpu.memory_space<vmem>> -> memref<1x1x128xi32, #tpu.memory_space<vmem>>
          %dma_start3A_161 = tpu.memref_squeeze %dma_start3A_160 : memref<1x1x128xi32, #tpu.memory_space<vmem>> -> memref<128xi32, #tpu.memory_space<vmem>>
          %dma_start3A_162 = arith.constant 0 : i32
          %dma_start3A_163 = arith.constant 0 : i32
          %dma_start3A_164 = tpu.memref_slice %arg2[%dma_start3A_162, %dma_start3A_163] : memref<100000x16xf32, #tpu.memory_space<hbm>> -> memref<100000x16xf32, #tpu.memory_space<hbm>>
          tpu.enqueue_indirect_dma source(%dma_start3A_164 : memref<100000x16xf32, #tpu.memory_space<hbm>>) target(%dma_start3A_158 : memref<128x16xf32, #tpu.memory_space<vmem>>) offsets(%dma_start3A_161 : memref<128xi32, #tpu.memory_space<vmem>>) semaphore(%arg14 : memref<!tpu.dma_semaphore, #tpu.memory_space<semaphore_mem>>)
          %dma_start3A_165 = arith.constant 5 : i32
          %dma_start3A_166 = arith.constant 0 : i32
          %dma_start3A_167 = arith.constant 640 : i32
          %dma_start3A_168 = arith.constant 0 : i32
          %dma_start3A_169 = tpu.memref_slice %arg10[%dma_start3A_167, %dma_start3A_168] : memref<1024x16xf32, #tpu.memory_space<vmem>> -> memref<128x16xf32, #tpu.memory_space<vmem>>
          %dma_start3A_170 = arith.constant 0 : i32
          %dma_start3A_171 = tpu.memref_slice %arg7[%dma_start3A_165, %dma_start3A_166, %dma_start3A_170] : memref<8x2x128xi32, #tpu.memory_space<vmem>> -> memref<1x1x128xi32, #tpu.memory_space<vmem>>
          %dma_start3A_172 = tpu.memref_squeeze %dma_start3A_171 : memref<1x1x128xi32, #tpu.memory_space<vmem>> -> memref<128xi32, #tpu.memory_space<vmem>>
          %dma_start3A_173 = arith.constant 0 : i32
          %dma_start3A_174 = arith.constant 0 : i32
          %dma_start3A_175 = tpu.memref_slice %arg2[%dma_start3A_173, %dma_start3A_174] : memref<100000x16xf32, #tpu.memory_space<hbm>> -> memref<100000x16xf32, #tpu.memory_space<hbm>>
          tpu.enqueue_indirect_dma source(%dma_start3A_175 : memref<100000x16xf32, #tpu.memory_space<hbm>>) target(%dma_start3A_169 : memref<128x16xf32, #tpu.memory_space<vmem>>) offsets(%dma_start3A_172 : memref<128xi32, #tpu.memory_space<vmem>>) semaphore(%arg14 : memref<!tpu.dma_semaphore, #tpu.memory_space<semaphore_mem>>)
          %dma_start3A_176 = arith.constant 6 : i32
          %dma_start3A_177 = arith.constant 0 : i32
          %dma_start3A_178 = arith.constant 768 : i32
          %dma_start3A_179 = arith.constant 0 : i32
          %dma_start3A_180 = tpu.memref_slice %arg10[%dma_start3A_178, %dma_start3A_179] : memref<1024x16xf32, #tpu.memory_space<vmem>> -> memref<128x16xf32, #tpu.memory_space<vmem>>
          %dma_start3A_181 = arith.constant 0 : i32
          %dma_start3A_182 = tpu.memref_slice %arg7[%dma_start3A_176, %dma_start3A_177, %dma_start3A_181] : memref<8x2x128xi32, #tpu.memory_space<vmem>> -> memref<1x1x128xi32, #tpu.memory_space<vmem>>
          %dma_start3A_183 = tpu.memref_squeeze %dma_start3A_182 : memref<1x1x128xi32, #tpu.memory_space<vmem>> -> memref<128xi32, #tpu.memory_space<vmem>>
          %dma_start3A_184 = arith.constant 0 : i32
          %dma_start3A_185 = arith.constant 0 : i32
          %dma_start3A_186 = tpu.memref_slice %arg2[%dma_start3A_184, %dma_start3A_185] : memref<100000x16xf32, #tpu.memory_space<hbm>> -> memref<100000x16xf32, #tpu.memory_space<hbm>>
          tpu.enqueue_indirect_dma source(%dma_start3A_186 : memref<100000x16xf32, #tpu.memory_space<hbm>>) target(%dma_start3A_180 : memref<128x16xf32, #tpu.memory_space<vmem>>) offsets(%dma_start3A_183 : memref<128xi32, #tpu.memory_space<vmem>>) semaphore(%arg14 : memref<!tpu.dma_semaphore, #tpu.memory_space<semaphore_mem>>)
          %dma_start3A_187 = arith.constant 7 : i32
          %dma_start3A_188 = arith.constant 0 : i32
          %dma_start3A_189 = arith.constant 896 : i32
          %dma_start3A_190 = arith.constant 0 : i32
          %dma_start3A_191 = tpu.memref_slice %arg10[%dma_start3A_189, %dma_start3A_190] : memref<1024x16xf32, #tpu.memory_space<vmem>> -> memref<128x16xf32, #tpu.memory_space<vmem>>
          %dma_start3A_192 = arith.constant 0 : i32
          %dma_start3A_193 = tpu.memref_slice %arg7[%dma_start3A_187, %dma_start3A_188, %dma_start3A_192] : memref<8x2x128xi32, #tpu.memory_space<vmem>> -> memref<1x1x128xi32, #tpu.memory_space<vmem>>
          %dma_start3A_194 = tpu.memref_squeeze %dma_start3A_193 : memref<1x1x128xi32, #tpu.memory_space<vmem>> -> memref<128xi32, #tpu.memory_space<vmem>>
          %dma_start3A_195 = arith.constant 0 : i32
          %dma_start3A_196 = arith.constant 0 : i32
          %dma_start3A_197 = tpu.memref_slice %arg2[%dma_start3A_195, %dma_start3A_196] : memref<100000x16xf32, #tpu.memory_space<hbm>> -> memref<100000x16xf32, #tpu.memory_space<hbm>>
          tpu.enqueue_indirect_dma source(%dma_start3A_197 : memref<100000x16xf32, #tpu.memory_space<hbm>>) target(%dma_start3A_191 : memref<128x16xf32, #tpu.memory_space<vmem>>) offsets(%dma_start3A_194 : memref<128xi32, #tpu.memory_space<vmem>>) semaphore(%arg14 : memref<!tpu.dma_semaphore, #tpu.memory_space<semaphore_mem>>)
        } else {
        }
      } else {
      }
      %eq3A = arith.constant 0 : i32
      %eq3A_124 = arith.cmpi eq, %rem3A_119, %eq3A : i32
      %convert_element_type3A_125 = arith.extui %eq3A_124 : i1 to i32
      %cond3A_126 = arith.constant 0 : i32
      %cond3A_127 = arith.cmpi ne, %convert_element_type3A_125, %cond3A_126 : i32
      scf.if %cond3A_127 {
        %dma_wait3A_134 = arith.constant 0 : i32
        %dma_wait3A_135 = arith.constant 0 : i32
        %dma_wait3A_136 = tpu.memref_slice %arg10[%dma_wait3A_134, %dma_wait3A_135] : memref<1024x16xf32, #tpu.memory_space<vmem>> -> memref<512x16xf32, #tpu.memory_space<vmem>>
        %dma_wait3A_137 = arith.constant 0 : i32
        %dma_wait3A_138 = arith.constant 0 : i32
        %dma_wait3A_139 = tpu.memref_slice %arg2[%dma_wait3A_137, %dma_wait3A_138] : memref<100000x16xf32, #tpu.memory_space<hbm>> -> memref<512x16xf32, #tpu.memory_space<hbm>>
        %dma_wait3A_140 = arith.constant 0 : i32
        %dma_wait3A_141 = arith.constant 0 : i32
        %dma_wait3A_142 = tpu.memref_slice %arg10[%dma_wait3A_140, %dma_wait3A_141] : memref<1024x16xf32, #tpu.memory_space<vmem>> -> memref<512x16xf32, #tpu.memory_space<vmem>>
        %dma_wait3A_143 = arith.constant 0 : i32
        %dma_wait3A_144 = arith.constant 0 : i32
        %dma_wait3A_145 = tpu.memref_slice %arg2[%dma_wait3A_143, %dma_wait3A_144] : memref<100000x16xf32, #tpu.memory_space<hbm>> -> memref<512x16xf32, #tpu.memory_space<hbm>>
        tpu.wait_dma2 semaphore(%arg13 : memref<!tpu.dma_semaphore, #tpu.memory_space<semaphore_mem>>) src(%dma_wait3A_145 : memref<512x16xf32, #tpu.memory_space<hbm>>) dst(%dma_wait3A_142 : memref<512x16xf32, #tpu.memory_space<vmem>>)
        %parallel_loop3A_146 = arith.constant 0 : i32
        %parallel_loop3A_147 = arith.constant 512 : i32
        %parallel_loop3A_148 = arith.constant 1 : i32
        scf.for %parallel_loop3A_193 = %parallel_loop3A_146 to %parallel_loop3A_147 step %parallel_loop3A_148  : i32 {
          %parallel_loop3A_194 = vector.broadcast %parallel_loop3A_193 : i32 to vector<16xi32>
          %parallel_loop3A_195 = tpu.vector_load_idx %arg8[%parallel_loop3A_194] : memref<512xf32, #tpu.memory_space<vmem>>[vector<16xi32>], vector<16xf32>,
          %parallel_loop3A_196 = arith.constant 0 : i32
          %parallel_loop3A_197 = arith.addi %parallel_loop3A_196, %parallel_loop3A_193 : i32
          %parallel_loop3A_198 = arith.index_cast %parallel_loop3A_197 : i32 to index
          %parallel_loop3A_199 = arith.constant 0 : index
          %parallel_loop3A_200 = tpu.vector_load %arg10[%parallel_loop3A_198, %parallel_loop3A_199] {strides = array<i32>} : memref<1024x16xf32, #tpu.memory_space<vmem>>, vector<16xf32>,
          %parallel_loop3A_201 = arith.mulf %parallel_loop3A_195, %get3A_3 : vector<16xf32>
          %parallel_loop3A_202 = arith.addf %parallel_loop3A_200, %parallel_loop3A_201 : vector<16xf32>
          %parallel_loop3A_203 = arith.addf %parallel_loop3A_202, %get3A_7 : vector<16xf32>
          %parallel_loop3A_204 = arith.constant 0.000000e+00 : f32
          %parallel_loop3A_205 = vector.broadcast %parallel_loop3A_204 : f32 to vector<16xf32>
          %parallel_loop3A_206 = arith.maximumf %parallel_loop3A_203, %parallel_loop3A_205 : vector<16xf32>
          %parallel_loop3A_207 = arith.constant 0 : i32
          %parallel_loop3A_208 = arith.addi %parallel_loop3A_207, %parallel_loop3A_193 : i32
          %parallel_loop3A_209 = arith.index_cast %parallel_loop3A_208 : i32 to index
          %parallel_loop3A_210 = arith.constant 0 : index
          %parallel_loop3A_211 = tpu.vector_load %arg10[%parallel_loop3A_209, %parallel_loop3A_210] {strides = array<i32>} : memref<1024x16xf32, #tpu.memory_space<vmem>>, vector<16xf32>,
          tpu.vector_store %arg10[%parallel_loop3A_209, %parallel_loop3A_210], %parallel_loop3A_206 {strides = array<i32>} : memref<1024x16xf32, #tpu.memory_space<vmem>>, vector<16xf32>,
        } {sc.loop_unroll_factor = 8 : i64, sc.parallel_access}
        %dma_start3A_149 = arith.constant 0 : i32
        %dma_start3A_150 = arith.constant 1 : i32
        %dma_start3A_151 = arith.constant 0 : i32
        %dma_start3A_152 = arith.constant 0 : i32
        %dma_start3A_153 = tpu.memref_slice %arg10[%dma_start3A_151, %dma_start3A_152] : memref<1024x16xf32, #tpu.memory_space<vmem>> -> memref<128x16xf32, #tpu.memory_space<vmem>>
        %dma_start3A_154 = arith.constant 0 : i32
        %dma_start3A_155 = tpu.memref_slice %arg7[%dma_start3A_149, %dma_start3A_150, %dma_start3A_154] : memref<8x2x128xi32, #tpu.memory_space<vmem>> -> memref<1x1x128xi32, #tpu.memory_space<vmem>>
        %dma_start3A_156 = tpu.memref_squeeze %dma_start3A_155 : memref<1x1x128xi32, #tpu.memory_space<vmem>> -> memref<128xi32, #tpu.memory_space<vmem>>
        %dma_start3A_157 = arith.constant 0 : i32
        %dma_start3A_158 = arith.constant 0 : i32
        %dma_start3A_159 = tpu.memref_slice %arg12[%dma_start3A_157, %dma_start3A_158] : memref<100096x16xf32, #tpu.memory_space<vmem_shared>> -> memref<100096x16xf32, #tpu.memory_space<vmem_shared>>
        tpu.enqueue_indirect_dma source(%dma_start3A_153 : memref<128x16xf32, #tpu.memory_space<vmem>>) target(%dma_start3A_159 : memref<100096x16xf32, #tpu.memory_space<vmem_shared>>) offsets(%dma_start3A_156 : memref<128xi32, #tpu.memory_space<vmem>>) semaphore(%arg15 : memref<!tpu.dma_semaphore, #tpu.memory_space<semaphore_mem>>) {add = true}
        %dma_start3A_160 = arith.constant 1 : i32
        %dma_start3A_161 = arith.constant 1 : i32
        %dma_start3A_162 = arith.constant 128 : i32
        %dma_start3A_163 = arith.constant 0 : i32
        %dma_start3A_164 = tpu.memref_slice %arg10[%dma_start3A_162, %dma_start3A_163] : memref<1024x16xf32, #tpu.memory_space<vmem>> -> memref<128x16xf32, #tpu.memory_space<vmem>>
        %dma_start3A_165 = arith.constant 0 : i32
        %dma_start3A_166 = tpu.memref_slice %arg7[%dma_start3A_160, %dma_start3A_161, %dma_start3A_165] : memref<8x2x128xi32, #tpu.memory_space<vmem>> -> memref<1x1x128xi32, #tpu.memory_space<vmem>>
        %dma_start3A_167 = tpu.memref_squeeze %dma_start3A_166 : memref<1x1x128xi32, #tpu.memory_space<vmem>> -> memref<128xi32, #tpu.memory_space<vmem>>
        %dma_start3A_168 = arith.constant 0 : i32
        %dma_start3A_169 = arith.constant 0 : i32
        %dma_start3A_170 = tpu.memref_slice %arg12[%dma_start3A_168, %dma_start3A_169] : memref<100096x16xf32, #tpu.memory_space<vmem_shared>> -> memref<100096x16xf32, #tpu.memory_space<vmem_shared>>
        tpu.enqueue_indirect_dma source(%dma_start3A_164 : memref<128x16xf32, #tpu.memory_space<vmem>>) target(%dma_start3A_170 : memref<100096x16xf32, #tpu.memory_space<vmem_shared>>) offsets(%dma_start3A_167 : memref<128xi32, #tpu.memory_space<vmem>>) semaphore(%arg15 : memref<!tpu.dma_semaphore, #tpu.memory_space<semaphore_mem>>) {add = true}
        %dma_start3A_171 = arith.constant 2 : i32
        %dma_start3A_172 = arith.constant 1 : i32
        %dma_start3A_173 = arith.constant 256 : i32
        %dma_start3A_174 = arith.constant 0 : i32
        %dma_start3A_175 = tpu.memref_slice %arg10[%dma_start3A_173, %dma_start3A_174] : memref<1024x16xf32, #tpu.memory_space<vmem>> -> memref<128x16xf32, #tpu.memory_space<vmem>>
        %dma_start3A_176 = arith.constant 0 : i32
        %dma_start3A_177 = tpu.memref_slice %arg7[%dma_start3A_171, %dma_start3A_172, %dma_start3A_176] : memref<8x2x128xi32, #tpu.memory_space<vmem>> -> memref<1x1x128xi32, #tpu.memory_space<vmem>>
        %dma_start3A_178 = tpu.memref_squeeze %dma_start3A_177 : memref<1x1x128xi32, #tpu.memory_space<vmem>> -> memref<128xi32, #tpu.memory_space<vmem>>
        %dma_start3A_179 = arith.constant 0 : i32
        %dma_start3A_180 = arith.constant 0 : i32
        %dma_start3A_181 = tpu.memref_slice %arg12[%dma_start3A_179, %dma_start3A_180] : memref<100096x16xf32, #tpu.memory_space<vmem_shared>> -> memref<100096x16xf32, #tpu.memory_space<vmem_shared>>
        tpu.enqueue_indirect_dma source(%dma_start3A_175 : memref<128x16xf32, #tpu.memory_space<vmem>>) target(%dma_start3A_181 : memref<100096x16xf32, #tpu.memory_space<vmem_shared>>) offsets(%dma_start3A_178 : memref<128xi32, #tpu.memory_space<vmem>>) semaphore(%arg15 : memref<!tpu.dma_semaphore, #tpu.memory_space<semaphore_mem>>) {add = true}
        %dma_start3A_182 = arith.constant 3 : i32
        %dma_start3A_183 = arith.constant 1 : i32
        %dma_start3A_184 = arith.constant 384 : i32
        %dma_start3A_185 = arith.constant 0 : i32
        %dma_start3A_186 = tpu.memref_slice %arg10[%dma_start3A_184, %dma_start3A_185] : memref<1024x16xf32, #tpu.memory_space<vmem>> -> memref<128x16xf32, #tpu.memory_space<vmem>>
        %dma_start3A_187 = arith.constant 0 : i32
        %dma_start3A_188 = tpu.memref_slice %arg7[%dma_start3A_182, %dma_start3A_183, %dma_start3A_187] : memref<8x2x128xi32, #tpu.memory_space<vmem>> -> memref<1x1x128xi32, #tpu.memory_space<vmem>>
        %dma_start3A_189 = tpu.memref_squeeze %dma_start3A_188 : memref<1x1x128xi32, #tpu.memory_space<vmem>> -> memref<128xi32, #tpu.memory_space<vmem>>
        %dma_start3A_190 = arith.constant 0 : i32
        %dma_start3A_191 = arith.constant 0 : i32
        %dma_start3A_192 = tpu.memref_slice %arg12[%dma_start3A_190, %dma_start3A_191] : memref<100096x16xf32, #tpu.memory_space<vmem_shared>> -> memref<100096x16xf32, #tpu.memory_space<vmem_shared>>
        tpu.enqueue_indirect_dma source(%dma_start3A_186 : memref<128x16xf32, #tpu.memory_space<vmem>>) target(%dma_start3A_192 : memref<100096x16xf32, #tpu.memory_space<vmem_shared>>) offsets(%dma_start3A_189 : memref<128xi32, #tpu.memory_space<vmem>>) semaphore(%arg15 : memref<!tpu.dma_semaphore, #tpu.memory_space<semaphore_mem>>) {add = true}
      } else {
      }
      %eq3A_128 = arith.constant 1 : i32
      %eq3A_129 = arith.cmpi eq, %rem3A_119, %eq3A_128 : i32
      %convert_element_type3A_130 = arith.extui %eq3A_129 : i1 to i32
      %cond3A_131 = arith.constant 0 : i32
      %cond3A_132 = arith.cmpi ne, %convert_element_type3A_130, %cond3A_131 : i32
      scf.if %cond3A_132 {
        %dma_wait3A_134 = arith.constant 512 : i32
        %dma_wait3A_135 = arith.constant 0 : i32
        %dma_wait3A_136 = tpu.memref_slice %arg10[%dma_wait3A_134, %dma_wait3A_135] : memref<1024x16xf32, #tpu.memory_space<vmem>> -> memref<512x16xf32, #tpu.memory_space<vmem>>
        %dma_wait3A_137 = arith.constant 0 : i32
        %dma_wait3A_138 = arith.constant 0 : i32
        %dma_wait3A_139 = tpu.memref_slice %arg2[%dma_wait3A_137, %dma_wait3A_138] : memref<100000x16xf32, #tpu.memory_space<hbm>> -> memref<512x16xf32, #tpu.memory_space<hbm>>
        %dma_wait3A_140 = arith.constant 512 : i32
        %dma_wait3A_141 = arith.constant 0 : i32
        %dma_wait3A_142 = tpu.memref_slice %arg10[%dma_wait3A_140, %dma_wait3A_141] : memref<1024x16xf32, #tpu.memory_space<vmem>> -> memref<512x16xf32, #tpu.memory_space<vmem>>
        %dma_wait3A_143 = arith.constant 0 : i32
        %dma_wait3A_144 = arith.constant 0 : i32
        %dma_wait3A_145 = tpu.memref_slice %arg2[%dma_wait3A_143, %dma_wait3A_144] : memref<100000x16xf32, #tpu.memory_space<hbm>> -> memref<512x16xf32, #tpu.memory_space<hbm>>
        tpu.wait_dma2 semaphore(%arg14 : memref<!tpu.dma_semaphore, #tpu.memory_space<semaphore_mem>>) src(%dma_wait3A_145 : memref<512x16xf32, #tpu.memory_space<hbm>>) dst(%dma_wait3A_142 : memref<512x16xf32, #tpu.memory_space<vmem>>)
        %parallel_loop3A_146 = arith.constant 0 : i32
        %parallel_loop3A_147 = arith.constant 512 : i32
        %parallel_loop3A_148 = arith.constant 1 : i32
        scf.for %parallel_loop3A_193 = %parallel_loop3A_146 to %parallel_loop3A_147 step %parallel_loop3A_148  : i32 {
          %parallel_loop3A_194 = vector.broadcast %parallel_loop3A_193 : i32 to vector<16xi32>
          %parallel_loop3A_195 = tpu.vector_load_idx %arg9[%parallel_loop3A_194] : memref<512xf32, #tpu.memory_space<vmem>>[vector<16xi32>], vector<16xf32>,
          %parallel_loop3A_196 = arith.constant 512 : i32
          %parallel_loop3A_197 = arith.addi %parallel_loop3A_196, %parallel_loop3A_193 : i32
          %parallel_loop3A_198 = arith.index_cast %parallel_loop3A_197 : i32 to index
          %parallel_loop3A_199 = arith.constant 0 : index
          %parallel_loop3A_200 = tpu.vector_load %arg10[%parallel_loop3A_198, %parallel_loop3A_199] {strides = array<i32>} : memref<1024x16xf32, #tpu.memory_space<vmem>>, vector<16xf32>,
          %parallel_loop3A_201 = arith.mulf %parallel_loop3A_195, %get3A_3 : vector<16xf32>
          %parallel_loop3A_202 = arith.addf %parallel_loop3A_200, %parallel_loop3A_201 : vector<16xf32>
          %parallel_loop3A_203 = arith.addf %parallel_loop3A_202, %get3A_7 : vector<16xf32>
          %parallel_loop3A_204 = arith.constant 0.000000e+00 : f32
          %parallel_loop3A_205 = vector.broadcast %parallel_loop3A_204 : f32 to vector<16xf32>
          %parallel_loop3A_206 = arith.maximumf %parallel_loop3A_203, %parallel_loop3A_205 : vector<16xf32>
          %parallel_loop3A_207 = arith.constant 512 : i32
          %parallel_loop3A_208 = arith.addi %parallel_loop3A_207, %parallel_loop3A_193 : i32
          %parallel_loop3A_209 = arith.index_cast %parallel_loop3A_208 : i32 to index
          %parallel_loop3A_210 = arith.constant 0 : index
          %parallel_loop3A_211 = tpu.vector_load %arg10[%parallel_loop3A_209, %parallel_loop3A_210] {strides = array<i32>} : memref<1024x16xf32, #tpu.memory_space<vmem>>, vector<16xf32>,
          tpu.vector_store %arg10[%parallel_loop3A_209, %parallel_loop3A_210], %parallel_loop3A_206 {strides = array<i32>} : memref<1024x16xf32, #tpu.memory_space<vmem>>, vector<16xf32>,
        } {sc.loop_unroll_factor = 8 : i64, sc.parallel_access}
        %dma_start3A_149 = arith.constant 4 : i32
        %dma_start3A_150 = arith.constant 1 : i32
        %dma_start3A_151 = arith.constant 512 : i32
        %dma_start3A_152 = arith.constant 0 : i32
        %dma_start3A_153 = tpu.memref_slice %arg10[%dma_start3A_151, %dma_start3A_152] : memref<1024x16xf32, #tpu.memory_space<vmem>> -> memref<128x16xf32, #tpu.memory_space<vmem>>
        %dma_start3A_154 = arith.constant 0 : i32
        %dma_start3A_155 = tpu.memref_slice %arg7[%dma_start3A_149, %dma_start3A_150, %dma_start3A_154] : memref<8x2x128xi32, #tpu.memory_space<vmem>> -> memref<1x1x128xi32, #tpu.memory_space<vmem>>
        %dma_start3A_156 = tpu.memref_squeeze %dma_start3A_155 : memref<1x1x128xi32, #tpu.memory_space<vmem>> -> memref<128xi32, #tpu.memory_space<vmem>>
        %dma_start3A_157 = arith.constant 0 : i32
        %dma_start3A_158 = arith.constant 0 : i32
        %dma_start3A_159 = tpu.memref_slice %arg12[%dma_start3A_157, %dma_start3A_158] : memref<100096x16xf32, #tpu.memory_space<vmem_shared>> -> memref<100096x16xf32, #tpu.memory_space<vmem_shared>>
        tpu.enqueue_indirect_dma source(%dma_start3A_153 : memref<128x16xf32, #tpu.memory_space<vmem>>) target(%dma_start3A_159 : memref<100096x16xf32, #tpu.memory_space<vmem_shared>>) offsets(%dma_start3A_156 : memref<128xi32, #tpu.memory_space<vmem>>) semaphore(%arg16 : memref<!tpu.dma_semaphore, #tpu.memory_space<semaphore_mem>>) {add = true}
        %dma_start3A_160 = arith.constant 5 : i32
        %dma_start3A_161 = arith.constant 1 : i32
        %dma_start3A_162 = arith.constant 640 : i32
        %dma_start3A_163 = arith.constant 0 : i32
        %dma_start3A_164 = tpu.memref_slice %arg10[%dma_start3A_162, %dma_start3A_163] : memref<1024x16xf32, #tpu.memory_space<vmem>> -> memref<128x16xf32, #tpu.memory_space<vmem>>
        %dma_start3A_165 = arith.constant 0 : i32
        %dma_start3A_166 = tpu.memref_slice %arg7[%dma_start3A_160, %dma_start3A_161, %dma_start3A_165] : memref<8x2x128xi32, #tpu.memory_space<vmem>> -> memref<1x1x128xi32, #tpu.memory_space<vmem>>
        %dma_start3A_167 = tpu.memref_squeeze %dma_start3A_166 : memref<1x1x128xi32, #tpu.memory_space<vmem>> -> memref<128xi32, #tpu.memory_space<vmem>>
        %dma_start3A_168 = arith.constant 0 : i32
        %dma_start3A_169 = arith.constant 0 : i32
        %dma_start3A_170 = tpu.memref_slice %arg12[%dma_start3A_168, %dma_start3A_169] : memref<100096x16xf32, #tpu.memory_space<vmem_shared>> -> memref<100096x16xf32, #tpu.memory_space<vmem_shared>>
        tpu.enqueue_indirect_dma source(%dma_start3A_164 : memref<128x16xf32, #tpu.memory_space<vmem>>) target(%dma_start3A_170 : memref<100096x16xf32, #tpu.memory_space<vmem_shared>>) offsets(%dma_start3A_167 : memref<128xi32, #tpu.memory_space<vmem>>) semaphore(%arg16 : memref<!tpu.dma_semaphore, #tpu.memory_space<semaphore_mem>>) {add = true}
        %dma_start3A_171 = arith.constant 6 : i32
        %dma_start3A_172 = arith.constant 1 : i32
        %dma_start3A_173 = arith.constant 768 : i32
        %dma_start3A_174 = arith.constant 0 : i32
        %dma_start3A_175 = tpu.memref_slice %arg10[%dma_start3A_173, %dma_start3A_174] : memref<1024x16xf32, #tpu.memory_space<vmem>> -> memref<128x16xf32, #tpu.memory_space<vmem>>
        %dma_start3A_176 = arith.constant 0 : i32
        %dma_start3A_177 = tpu.memref_slice %arg7[%dma_start3A_171, %dma_start3A_172, %dma_start3A_176] : memref<8x2x128xi32, #tpu.memory_space<vmem>> -> memref<1x1x128xi32, #tpu.memory_space<vmem>>
        %dma_start3A_178 = tpu.memref_squeeze %dma_start3A_177 : memref<1x1x128xi32, #tpu.memory_space<vmem>> -> memref<128xi32, #tpu.memory_space<vmem>>
        %dma_start3A_179 = arith.constant 0 : i32
        %dma_start3A_180 = arith.constant 0 : i32
        %dma_start3A_181 = tpu.memref_slice %arg12[%dma_start3A_179, %dma_start3A_180] : memref<100096x16xf32, #tpu.memory_space<vmem_shared>> -> memref<100096x16xf32, #tpu.memory_space<vmem_shared>>
        tpu.enqueue_indirect_dma source(%dma_start3A_175 : memref<128x16xf32, #tpu.memory_space<vmem>>) target(%dma_start3A_181 : memref<100096x16xf32, #tpu.memory_space<vmem_shared>>) offsets(%dma_start3A_178 : memref<128xi32, #tpu.memory_space<vmem>>) semaphore(%arg16 : memref<!tpu.dma_semaphore, #tpu.memory_space<semaphore_mem>>) {add = true}
        %dma_start3A_182 = arith.constant 7 : i32
        %dma_start3A_183 = arith.constant 1 : i32
        %dma_start3A_184 = arith.constant 896 : i32
        %dma_start3A_185 = arith.constant 0 : i32
        %dma_start3A_186 = tpu.memref_slice %arg10[%dma_start3A_184, %dma_start3A_185] : memref<1024x16xf32, #tpu.memory_space<vmem>> -> memref<128x16xf32, #tpu.memory_space<vmem>>
        %dma_start3A_187 = arith.constant 0 : i32
        %dma_start3A_188 = tpu.memref_slice %arg7[%dma_start3A_182, %dma_start3A_183, %dma_start3A_187] : memref<8x2x128xi32, #tpu.memory_space<vmem>> -> memref<1x1x128xi32, #tpu.memory_space<vmem>>
        %dma_start3A_189 = tpu.memref_squeeze %dma_start3A_188 : memref<1x1x128xi32, #tpu.memory_space<vmem>> -> memref<128xi32, #tpu.memory_space<vmem>>
        %dma_start3A_190 = arith.constant 0 : i32
        %dma_start3A_191 = arith.constant 0 : i32
        %dma_start3A_192 = tpu.memref_slice %arg12[%dma_start3A_190, %dma_start3A_191] : memref<100096x16xf32, #tpu.memory_space<vmem_shared>> -> memref<100096x16xf32, #tpu.memory_space<vmem_shared>>
        tpu.enqueue_indirect_dma source(%dma_start3A_186 : memref<128x16xf32, #tpu.memory_space<vmem>>) target(%dma_start3A_192 : memref<100096x16xf32, #tpu.memory_space<vmem_shared>>) offsets(%dma_start3A_189 : memref<128xi32, #tpu.memory_space<vmem>>) semaphore(%arg16 : memref<!tpu.dma_semaphore, #tpu.memory_space<semaphore_mem>>) {add = true}
      } else {
      }
      %scan3A_133 = arith.constant 0 : i32
      scf.yield %scan3A_133 : i32
    }
    %scan3A_92 = arith.constant 100 : i32
    %dma_wait3A = arith.constant 0 : i32
    %dma_wait3A_93 = arith.constant 0 : i32
    %dma_wait3A_94 = tpu.memref_slice %arg10[%dma_wait3A, %dma_wait3A_93] : memref<1024x16xf32, #tpu.memory_space<vmem>> -> memref<512x16xf32, #tpu.memory_space<vmem>>
    %dma_wait3A_95 = arith.constant 0 : i32
    %dma_wait3A_96 = arith.constant 0 : i32
    %dma_wait3A_97 = tpu.memref_slice %arg2[%dma_wait3A_95, %dma_wait3A_96] : memref<100000x16xf32, #tpu.memory_space<hbm>> -> memref<512x16xf32, #tpu.memory_space<hbm>>
    %dma_wait3A_98 = arith.constant 0 : i32
    %dma_wait3A_99 = arith.constant 0 : i32
    %dma_wait3A_100 = tpu.memref_slice %arg10[%dma_wait3A_98, %dma_wait3A_99] : memref<1024x16xf32, #tpu.memory_space<vmem>> -> memref<512x16xf32, #tpu.memory_space<vmem>>
    %dma_wait3A_101 = arith.constant 0 : i32
    %dma_wait3A_102 = arith.constant 0 : i32
    %dma_wait3A_103 = tpu.memref_slice %arg2[%dma_wait3A_101, %dma_wait3A_102] : memref<100000x16xf32, #tpu.memory_space<hbm>> -> memref<512x16xf32, #tpu.memory_space<hbm>>
    tpu.wait_dma2 semaphore(%arg15 : memref<!tpu.dma_semaphore, #tpu.memory_space<semaphore_mem>>) src(%dma_wait3A_103 : memref<512x16xf32, #tpu.memory_space<hbm>>) dst(%dma_wait3A_100 : memref<512x16xf32, #tpu.memory_space<vmem>>)
    %dma_wait3A_104 = arith.constant 512 : i32
    %dma_wait3A_105 = arith.constant 0 : i32
    %dma_wait3A_106 = tpu.memref_slice %arg10[%dma_wait3A_104, %dma_wait3A_105] : memref<1024x16xf32, #tpu.memory_space<vmem>> -> memref<512x16xf32, #tpu.memory_space<vmem>>
    %dma_wait3A_107 = arith.constant 0 : i32
    %dma_wait3A_108 = arith.constant 0 : i32
    %dma_wait3A_109 = tpu.memref_slice %arg2[%dma_wait3A_107, %dma_wait3A_108] : memref<100000x16xf32, #tpu.memory_space<hbm>> -> memref<512x16xf32, #tpu.memory_space<hbm>>
    %dma_wait3A_110 = arith.constant 512 : i32
    %dma_wait3A_111 = arith.constant 0 : i32
    %dma_wait3A_112 = tpu.memref_slice %arg10[%dma_wait3A_110, %dma_wait3A_111] : memref<1024x16xf32, #tpu.memory_space<vmem>> -> memref<512x16xf32, #tpu.memory_space<vmem>>
    %dma_wait3A_113 = arith.constant 0 : i32
    %dma_wait3A_114 = arith.constant 0 : i32
    %dma_wait3A_115 = tpu.memref_slice %arg2[%dma_wait3A_113, %dma_wait3A_114] : memref<100000x16xf32, #tpu.memory_space<hbm>> -> memref<512x16xf32, #tpu.memory_space<hbm>>
    tpu.wait_dma2 semaphore(%arg16 : memref<!tpu.dma_semaphore, #tpu.memory_space<semaphore_mem>>) src(%dma_wait3A_115 : memref<512x16xf32, #tpu.memory_space<hbm>>) dst(%dma_wait3A_112 : memref<512x16xf32, #tpu.memory_space<vmem>>)
    %barrier3A_116 = arith.constant 0 : index
    tpu.barrier barrier_id(%barrier3A_116)
    "tpu.region"() ({
      %run_scoped3A = tpu.sem_alloc : memref<!tpu.dma_semaphore, #tpu.memory_space<semaphore_mem>>
      %dma_start3A_117 = arith.constant 0 : i32
      %dma_start3A_118 = tpu.memref_slice %arg6[%arg0, %mul3A_11, %dma_start3A_117] : memref<2x100096x16xf32, #tpu.memory_space<hbm>> -> memref<1x6256x16xf32, #tpu.memory_space<hbm>>
      %dma_start3A_119 = tpu.memref_squeeze %dma_start3A_118 : memref<1x6256x16xf32, #tpu.memory_space<hbm>> -> memref<6256x16xf32, #tpu.memory_space<hbm>>
      %dma_start3A_120 = arith.constant 0 : i32
      %dma_start3A_121 = tpu.memref_slice %arg12[%mul3A_11, %dma_start3A_120] : memref<100096x16xf32, #tpu.memory_space<vmem_shared>> -> memref<6256x16xf32, #tpu.memory_space<vmem_shared>>
      tpu.enqueue_dma source(%dma_start3A_121 : memref<6256x16xf32, #tpu.memory_space<vmem_shared>>) target(%dma_start3A_119 : memref<6256x16xf32, #tpu.memory_space<hbm>>) target_semaphore(%run_scoped3A : memref<!tpu.dma_semaphore, #tpu.memory_space<semaphore_mem>>)
      %dma_wait3A_122 = arith.constant 0 : i32
      %dma_wait3A_123 = tpu.memref_slice %arg6[%arg0, %mul3A_11, %dma_wait3A_122] : memref<2x100096x16xf32, #tpu.memory_space<hbm>> -> memref<1x6256x16xf32, #tpu.memory_space<hbm>>
      %dma_wait3A_124 = tpu.memref_squeeze %dma_wait3A_123 : memref<1x6256x16xf32, #tpu.memory_space<hbm>> -> memref<6256x16xf32, #tpu.memory_space<hbm>>
      %dma_wait3A_125 = arith.constant 0 : i32
      %dma_wait3A_126 = tpu.memref_slice %arg12[%mul3A_11, %dma_wait3A_125] : memref<100096x16xf32, #tpu.memory_space<vmem_shared>> -> memref<6256x16xf32, #tpu.memory_space<vmem_shared>>
      tpu.wait_dma2 semaphore(%run_scoped3A : memref<!tpu.dma_semaphore, #tpu.memory_space<semaphore_mem>>) src(%dma_wait3A_126 : memref<6256x16xf32, #tpu.memory_space<vmem_shared>>) dst(%dma_wait3A_124 : memref<6256x16xf32, #tpu.memory_space<hbm>>)
      tpu.yield
    }) : () -> ()
    return
  }
}

</mosaic_0001>

<sc_bundles>
// kernel: _edge_pass.3.cloned.1.call-start
scs
__scs_entry_jumppad:
0x0: {  	(pc) =	sbr.rel $0x88, $3  }
0x1: {  	(tag) =	ssettag $0x0;
	lr =	simm.s32 $0x1  }
0x2: {  	[smem:$0x3F9D] =	sst lr;
	_ =	strace $0xD0000000  }
0x3: {  	_ = 	snop  }
0x4: {  	_ = 	snop  }
0x5: {  	_ = 	snop  }
0x6: {  	_ = 	snop  }
0x7: {  	_ = 	snop  }
__scs_overlays_trampoline_lowered:
0x8: {  	[smem:$0x3FAC] =	sst s0  }
0x9: {  	[smem:$0x3FAD] =	sst s1  }
0xa: {  	[smem:$0x3FAE] =	sst s2  }
0xb: {  	[smem:$0x3FAF] =	sst s3  }
0xc: {  	[smem:$0x3FB0] =	sst s4  }
0xd: {  	[smem:$0x3FB1] =	sst s5  }
0xe: {  	[smem:$0x3FB2] =	sst s6  }
0xf: {  	[smem:$0x3FB3] =	sst s7  }
0x10: {  	[smem:$0x3FB4] =	sst s8  }
0x11: {  	[smem:$0x3FB5] =	sst s9;
	s0 =	simm.s32 @!p0 $0x0  }
0x12: {  	s1 =	sld [smem:$0x3F9B];
	s0 =	simm.s32 @p0 $0x1  }
0x13: {  	[smem:$0x3FB6] =	sst s0;
	s0 =	simm.s32 @!p1 $0x0  }
0x14: {  	s2 =	sld [smem:$0x3F9A];
	s0 =	simm.s32 @p1 $0x1  }
0x15: {  	[smem:$0x3FB7] =	sst s0;
	s0 =	simm.s32 @!p2 $0x0  }
0x16: {  	s3 =	sld [smem:$0x3FDB];
	s0 =	simm.s32 @p2 $0x1  }
0x17: {  	s4 =	simm.s32 $0x1BF5;
	[smem:$0x3FB9] =	sst s0  }
0x18: {  	s0 =	sld [smem:$0x3F9C];
	_ =	swait.ge [sflag:s4], $0x0  }
0x19: {  	s7 =	sld [smem:$0x3F9D]  }
0x1a: {  	s8 =	sadd.s32 $0xFFFFE003, lr  }
0x1b: {  	s9 =	sadd.s32 $0xFFFFFEF7, lr;
	s5 =	simm.s32 $0xFFFFFFFF;
	p2 =	slt.u32 s8, $0xFFFFF086  }
0x1c: {  	p1 =	slt.u32 s9, $0xF7A;
	s5 =	simm.s32 @!p2 $0x0  }
0x1d: {  	s5 =	simm.s32 @p1 $0x1;
	p0 =	seq.s32 s7, s2  }
0x1e: {  	s7 =	smul.u32 @!p0 $0xF7A, s2;
	p2 =	seq.s32 @!p0 s5, $0x0  }
0x1f: {  	s9 =	smul.u32 $0xF7A, s1;
	s8 =	simm.s32 @!p0 $0x1BF5;
	p2 =	por !p2, p0  }
0x20: {  	[sflag:s8] =	ssyncset.s32 @!p0 $0xFFFFF086;
	s6 =	sadd.s32 @!p0 s3, s7;
	s7 =	simm.s32 @!p0 $0x108  }
0x21: {  	s3 =	sadd.s32 s3, s9;
	s6 =	sadd.s32 @!p0 $0x88, s6;
	s7 =	simm.s32 @p2 $0x1082  }
0x22: {  	[simem:s7], [sflag:s8] =	dma.local @!p0 [hbm:s6], $0xF7A  }
0x23: {  	s9 =	sor.u32 $0xD0000000, s2;
	s6 =	simm.s32 $0x108;
	_ =	swait.ge @!p0 [sflag:s8], $0x0  }
0x24: {  	s3 =	sadd.s32 $0x88, s3;
	s6 =	simm.s32 @!p1 $0x1082;
	[sflag:s4] =	ssyncset.s32 $0xFFFFF086  }
0x25: {  	[simem:s6], [sflag:s4] =	dma.local [hbm:s3], $0xF7A  }
0x26: {  	[smem:$0x3F9D] =	sst s1;
	(tag) =	ssettag s2;
	_ =	strace s9  }
0x27: {  	s1 =	sld [smem:$0x3FAD]  }
0x28: {  	s2 =	sld [smem:$0x3FAE]  }
0x29: {  	s4 =	sld [smem:$0x3FB0]  }
0x2a: {  	p0 =	seq.s32 s5, $0x0;
	s5 =	sld [smem:$0x3FB1]  }
0x2b: {  	s6 =	sld [smem:$0x3FB2]  }
0x2c: {  	s7 =	sld [smem:$0x3FB3]  }
0x2d: {  	s3 =	simm.s32 $0x108;
	s8 =	sld [smem:$0x3FB4]  }
0x2e: {  	s3 =	simm.s32 @!p0 $0x1082;
	s9 =	sld [smem:$0x3FB5]  }
0x2f: {  	lr =	sadd.s32 s0, s3;
	s0 =	sld [smem:$0x3FAC]  }
0x30: {  	s3 =	sld [smem:$0x3FAF]  }
0x31: {  	[smem:$0x3FB8] =	sst s10  }
0x32: {  	s10 =	sld [smem:$0x3FB6];
	_ =	sdelay $0x3  }
0x33: {  	p0 =	seq.s32 s10, $0x1;
	s10 =	sld [smem:$0x3FB8];
	_ =	sdelay $0x3  }
0x34: {  	[smem:$0x3FB8] =	sst s10  }
0x35: {  	s10 =	sld [smem:$0x3FB7];
	_ =	sdelay $0x3  }
0x36: {  	p1 =	seq.s32 s10, $0x1;
	s10 =	sld [smem:$0x3FB8];
	_ =	sdelay $0x3  }
0x37: {  	[smem:$0x3FB8] =	sst s10  }
0x38: {  	s10 =	sld [smem:$0x3FB9]  }
0x39: {  	_ = 	snop;
	(pc) =	sbr.ind lr, $3  }
0x3a: {  	_ = 	snop  }
0x3b: {  	_ = 	snop  }
0x3c: {  	p2 =	seq.s32 s10, $0x1;
	s10 =	sld [smem:$0x3FB8]  }
0x3d: {  	_ =	shalt  }
0x3e: {  	_ =	shalt  }
0x3f: {  	_ =	shalt  }
0x40: {  	_ =	shalt  }
0x41: {  	_ =	shalt  }
0x42: {  	_ =	shalt  }
0x43: {  	_ =	shalt  }
0x44: {  	_ =	shalt  }
0x45: {  	_ =	shalt  }
0x46: {  	_ =	shalt  }
0x47: {  	_ =	shalt  }
0x48: {  	_ =	shalt  }
0x49: {  	_ =	shalt  }
0x4a: {  	_ =	shalt  }
0x4b: {  	_ =	shalt  }
0x4c: {  	_ =	shalt  }
0x4d: {  	_ =	shalt  }
0x4e: {  	_ =	shalt  }
0x4f: {  	_ =	shalt  }
0x50: {  	_ =	shalt  }
0x51: {  	_ =	shalt  }
0x52: {  	_ =	shalt  }
0x53: {  	_ =	shalt  }
0x54: {  	_ =	shalt  }
0x55: {  	_ =	shalt  }
0x56: {  	_ =	shalt  }
0x57: {  	_ =	shalt  }
0x58: {  	_ =	shalt  }
0x59: {  	_ =	shalt  }
0x5a: {  	_ =	shalt  }
0x5b: {  	_ =	shalt  }
0x5c: {  	_ =	shalt  }
0x5d: {  	_ =	shalt  }
0x5e: {  	_ =	shalt  }
0x5f: {  	_ =	shalt  }
0x60: {  	_ =	shalt  }
0x61: {  	_ =	shalt  }
0x62: {  	_ =	shalt  }
0x63: {  	_ =	shalt  }
0x64: {  	_ =	shalt  }
0x65: {  	_ =	shalt  }
0x66: {  	_ =	shalt  }
0x67: {  	_ =	shalt  }
0x68: {  	_ =	shalt  }
0x69: {  	_ =	shalt  }
0x6a: {  	_ =	shalt  }
0x6b: {  	_ =	shalt  }
0x6c: {  	_ =	shalt  }
0x6d: {  	_ =	shalt  }
0x6e: {  	_ =	shalt  }
0x6f: {  	_ =	shalt  }
0x70: {  	_ =	shalt  }
0x71: {  	_ =	shalt  }
0x72: {  	_ =	shalt  }
0x73: {  	_ =	shalt  }
0x74: {  	_ =	shalt  }
0x75: {  	_ =	shalt  }
0x76: {  	_ =	shalt  }
0x77: {  	_ =	shalt  }
0x78: {  	_ =	shalt  }
0x79: {  	_ =	shalt  }
0x7a: {  	_ =	shalt  }
0x7b: {  	_ =	shalt  }
0x7c: {  	_ =	shalt  }
0x7d: {  	_ =	shalt  }
0x7e: {  	_ =	shalt  }
0x7f: {  	_ =	shalt  }
0x80: {  	_ =	shalt  }
0x81: {  	_ =	shalt  }
0x82: {  	_ =	shalt  }
0x83: {  	_ =	shalt  }
0x84: {  	_ =	shalt  }
0x85: {  	_ =	shalt  }
0x86: {  	_ =	shalt  }
0x87: {  	_ =	shalt  }
.Lfunc_end0:
.L_simem_size_0:
called_computation_lowered:
.L_overlay_start_0:
0x88: {  	s2 =	sld [smem:$0x3FD9]  }
0x89: {  	s3 =	sld [smem:$0x3FFE];
	_ =	sdelay $0x1  }
0x8a: {  	s1 =	srdreg.scid  }
0x8b: {  	s0 =	sand.u32 $0x1, s1  }
0x8c: {  	s17 =	sshll.u32 s0, $0xA;
	s2 =	sadd.s32 s3, s2  }
0x8d: {  	s2 =	sadd.s32 s2, s17  }
0x8e: {  	[smem:$0x3FC4] =	sst s2  }
0x8f: {  	_ = 	snop  }
0x90: {  	s2 =	sld [smem:$0x3FC8]  }
0x91: {  	s18 =	sld [smem:$0x3FC7]  }
0x92: {  	s4 =	sld [smem:$0x3FD0];
	(tm) =	ssettm $0x1  }
0x93: {  	s5 =	sld [smem:$0x3FFB];
	_ =	sdelay $0x3  }
0x94: {  	_ =	strace s5  }
0x95: {  	s5 =	sld [smem:$0x3FFC];
	_ =	sdelay $0x3  }
0x96: {  	_ =	strace s5  }
0x97: {  	s5 =	sld [smem:$0x3FFD];
	_ =	sdelay $0x3  }
0x98: {  	_ =	strace s5  }
0x99: {  	_ =	strace $0x8FFFFFFF  }
0x9a: {  	s19 =	sld [smem:$0x3FDB];
	_ =	sdelay $0x1  }
0x9b: {  	s6 =	simm.s32 $_scs_section_size  }
0x9c: {  	s7 =	simm.s32 $_size__tile_overlayer_lowered;
	s8 =	simm.s32 $_tile_overlayer_lowered  }
0x9d: {  	s22 =	simm.s32 $0x1BFF;
	s21 =	sshll.u32 s8, $0x1;
	s5 =	sadd.s32 s6, s19  }
0x9e: {  	s9 =	simm.s32 $0x0;
	s20 =	sshll.u32 s7, $0x1;
	s7 =	sadd.s32 s21, s5  }
0x9f: {  	[timem:s9], [sflag:s22] =	dma.local [hbm:s7], s20  }
0xa0: {  	_ =	swait.ge [sflag:s22], s20  }
0xa1: {  	s6 =	ssub.s32 $0x0, s20;
	[sflag:s22] =	ssyncset.done $0x0  }
0xa2: {  	[sflag:s22] =	ssyncadd.s32 s6;
	_ =	sdelay $0x1  }
0xa3: {  	s23 =	simm.s32 $0x1B8B  }
0xa4: {  	_ =	swait.ge [sflag:s23], $0x1  }
0xa5: {  	[sflag:s23] =	ssyncset.done $0x0  }
0xa6: {  	s25 =	simm.s32 $0x1B8E;
	s24 =	sld [smem:$0x3FFE];
	[sflag:s23] =	ssyncadd.s32 $0xFFFFFFFF  }
0xa7: {  	s26 =	simm.s32 $execute0_lowered;
	[smem:$0x3FD2] =	sst s25  }
0xa8: {  	s7 =	sshll.u32 s26, $0x1;
	_ =	strace $0x80000046;
	[dreg:$0x1] =	wrdreg $0xFFFFFFFF  }
0xa9: {  	s28 =	simm.s32 $_size_execute0_lowered;
	s5 =	sadd.s32 s5, s7;
	[dreg:$0x0] =	wrdreg $0x0  }
0xaa: {  	s7 =	sshll.u32 s28, $0x1;
	[dreg:$0x2] =	wrdreg s5  }
0xab: {  	[dreg:$0x3] =	wrdreg s7  }
0xac: {  	[dreg:$0x4] =	wrdreg $0xC0  }
0xad: {  	_ =	task [dreg:s9], $0x5FFFF  }
0xae: {  	[dreg:$0x1] =	wrdreg $0xFFFFFFFF  }
0xaf: {  	[dreg:$0x0] =	wrdreg $0x60  }
0xb0: {  	[dreg:$0x2] =	wrdreg s24  }
0xb1: {  	[dreg:$0x3] =	wrdreg s2  }
0xb2: {  	[dreg:$0x4] =	wrdreg s18  }
0xb3: {  	[dreg:$0x5] =	wrdreg s4  }
0xb4: {  	[dreg:$0x6] =	wrdreg $0x4C200  }
0xb5: {  	[dreg:$0x7] =	wrdreg $0x9  }
0xb6: {  	_ =	task.clear_ibuf [dreg:s9], $0x8FFFF;
	_ =	strace $0x90000046  }
0xb7: {  	s29 =	simm.s32 $0x9;
	_ =	strace $0x80000048  }
0xb8: {  	_ =	swait.ge [sflag:s29], $0x1  }
0xb9: {  	[sflag:s29] =	ssyncadd.s32 $0xFFFFFFFF  }
0xba: {  	_ =	strace $0x90000048  }
0xbb: {  	_ =	sfence  }
0xbc: {  	s30 =	sld [smem:$0x0];
	_ =	sdelay $0x2  }
0xbd: {  	s31 =	sshll.u32 s1, $0xD;
	s1 =	sshrl.u32 s1, $0x2  }
0xbe: {  	s3 =	sand.u32 $0x4000, s31;
	s1 =	sadd.s32 s1, s30  }
0xbf: {  	s0 =	sor.u32 s3, s0;
	s1 =	sshll.u32 s1, $0x11  }
0xc0: {  	s0 =	sor.u32 s1, s0  }
0xc1: {  	s0 =	sadd.s32 $0x8F2B, s0  }
0xc2: {  	[sflag:s0] =	ssyncadd.remote.s32 $0x1  }
0xc3: {  	_ =	sfence.sel $0xFFFF  }
0xc4: {  	[dreg:$0x0] =	wrdreg $0xFFFFFFFF;
	(pc) =	sbr.abs _section_cstart, $3  }
0xc5: {  	[dreg:$0x1] =	wrdreg $0xFFFFFFFF  }
0xc6: {  	_ =	task.clear_ibuf [dreg:s9], $0x2FFFF;
	_ =	strace $0x9FFFFFFF  }
0xc7: {  	(tm) =	ssettm $0x7FFFFFFF  }
tec
execute0_lowered:
.L_overlay_start_1:
0x0: {  	(tag) =	ssettag $0x1  }
0x1: {  	s0 =	rddreg [dreg:$0x0]  }
0x2: {  	s1 =	rddreg [dreg:$0x1]  }
0x3: {  	s2 =	rddreg [dreg:$0x2]  }
0x4: {  	s4 =	rddreg [dreg:$0x3]  }
0x5: {  	s3 =	rddreg [dreg:$0x4];
	s5 =	simm.s32 $0x0;
	s6 =	srdreg.scid  }
0x6: {  	s11 =	stileid.u32;
	s28 =	simm.s32 $0x5;
	s29 =	simm.s32 $0xC00  }
0x7: {  	s30 =	simm.s32 $0x800;
	[smem:$0x7FF] =	sst s5;
	s9 =	smul.u32 $0x61C00, s11  }
0x8: {  	s7 =	sand.u32 $0x1, s6;
	s6 =	sadd.s32 $0x187000, s0;
	s10 =	smul.u32 $0x18700, s11  }
0x9: {  	s0 =	sadd.s32 $0x400, s0;
	_ =	strace $0x80000047;
	s9 =	sshrl.u32 s9, $0x2  }
0xa: {  	[dreg:$0x6] =	wrdreg s0;
	s14 =	sadd.s32 s10, s3;
	s9 =	sadd.s32 s9, s3  }
0xb: {  	s31 =	simm.s32 $0x80;
	[dreg:$0x7] =	wrdreg s14;
	s24 =	sadd.s32 $0x2000, s9  }
0xc: {  	s23 =	sshll.u32 s11, $0x1;
	s25 =	sadd.s32 $0x4000, s9;
	[dreg:$0x8] =	wrdreg s24  }
0xd: {  	s11 =	simm.s32 $0x400;
	s26 =	sadd.s32 $0x6000, s9;
	[dreg:$0x9] =	wrdreg s25  }
0xe: {  	s8 =	ssub.s32 $0x2, s7;
	s12 =	sadd.s32 $0x8000, s9;
	[dreg:$0xa] =	wrdreg s26  }
0xf: {  	s22 =	sshrl.u32 s8, $0x1;
	s13 =	sadd.s32 $0xA000, s9;
	[dreg:$0xb] =	wrdreg s12  }
0x10: {  	s0 =	ssub.s32 s8, s22;
	s15 =	sadd.s32 $0xC000, s9;
	[dreg:$0xc] =	wrdreg s13  }
0x11: {  	s8 =	sor.u32 s7, s23;
	s16 =	sadd.s32 $0xE000, s9;
	[dreg:$0xd] =	wrdreg s15  }
0x12: {  	s7 =	smul.u32 $0x187000, s7;
	s17 =	sadd.s32 $0x10000, s9;
	[dreg:$0xe] =	wrdreg s16  }
0x13: {  	s18 =	sadd.s32 $0x12000, s9;
	s19 =	smul.u32 $0x3200, s8;
	[dreg:$0xf] =	wrdreg s17  }
0x14: {  	s20 =	sadd.s32 $0x14000, s9;
	s21 =	smul.u32 $0x1900, s8;
	[dreg:$0x10] =	wrdreg s18  }
0x15: {  	s23 =	sadd.s32 $0x16000, s9;
	s22 =	smul.u32 $0x190, s8;
	[dreg:$0x11] =	wrdreg s20  }
0x16: {  	s0 =	smax.u32 s0, $0x1;
	s8 =	simm.s32 $0x480;
	[dreg:$0x13] =	wrdreg s23  }
0x17: {  	s7 =	sadd.s32 s10, s7;
	s24 =	sadd.s32 $0x18000, s9;
	[dreg:$0x17] =	wrdreg s0  }
0x18: {  	s12 =	simm.s32 $0xA00;
	s13 =	simm.s32 $0x2C00;
	s15 =	simm.s32 $0x3400  }
0x19: {  	s16 =	simm.s32 $0x600;
	s17 =	simm.s32 $0x3C00;
	s18 =	simm.s32 $0x700  }
0x1a: {  	s20 =	simm.s32 $0x1;
	s0 =	simm.s32 $0x580;
	s9 =	simm.s32 $0x780  }
.Ltmp0:
0x1b: {  	s23 =	simm.s32 $0x4;
	s10 =	simm.s32 $0x0;
	(pc) =	sbr.rel .LBB2_1-.Ltmp0, $4  }
0x1c: {  	s7 =	sshrl.u32 s7, $0x3;
	[dreg:$0x14] =	wrdreg s24;
	s25 =	sadd.s32 s1, s19  }
0x1d: {  	s26 =	sadd.s32 s2, s21;
	s19 =	simm.s32 $0x4400;
	[dreg:$0x15] =	wrdreg s25  }
0x1e: {  	v1 =	vimm.s32 $0x0;
	vm0 =	vcmask $0x300;
	s21 =	simm.s32 $0x3;
	s4 =	sadd.s32 s4, s7;
	[dreg:$0x16] =	wrdreg s26  }
0x1f: {  	v0 =	vimm.f32 $0.0e+00;
	v1 =	vsel vm0, $0x3, v1;
	s25 =	simm.s32 $0x2;
	[dreg:$0x12] =	wrdreg s4;
	s4 =	simm.s32 $0x680  }
.LBB2_17:
0x20: {  	_ =	swait.ge [sflag:s21], $0x2000  }
0x21: {  	[sflag:s21] =	ssyncset.done $0x0  }
0x22: {  	[sflag:s21] =	ssyncadd.s32 $0xFFFFE000  }
0x23: {  	_ =	swait.ge [sflag:s23], $0x2000  }
0x24: {  	[sflag:s23] =	ssyncset.done $0x0  }
0x25: {  	[sflag:s23] =	ssyncadd.s32 $0xFFFFE000  }
0x26: {  	s7 =	stileid.u32;
	[bflag:$0x0] =	sbarrier.arrive $0xFFFF  }
0x27: {  	s7 =	sshll.u32 s7, $0x6;
	s14 =	rddreg [dreg:$0x7]  }
0x28: {  	s7 =	sor.u32 $0x1C05, s7;
	s24 =	rddreg [dreg:$0x12];
	s10 =	sshrl.u32 s14, $0x3  }
0x29: {  	[hbm:s24], [sflag:s7] =	dma.local [spmem:s10], $0x30E0  }
0x2a: {  	_ =	swait.ge [sflag:s28], $0x30E0  }
0x2b: {  	s24 =	rddreg [dreg:$0x18]  }
0x2c: {  	s26 =	rddreg [dreg:$0x17];
	s10 =	sadd.s32 $0x1, s24  }
0x2d: {  	p0 =	sne.s32 s10, s26  }
.Ltmp1:
0x2e: {  	_ = 	snop;
	(pc) =	sbr.rel @!p0 .LBB2_18-.Ltmp1, $3  }
0x2f: {  	_ =	sdelay $0x1  }
0x30: {  	[sflag:s28] =	ssyncset.done $0x0  }
0x31: {  	[sflag:s28] =	ssyncadd.s32 $0xFFFFCF20  }
.LBB2_1:
0x32: {  	[dreg:$0x18] =	wrdreg s10  }
0x33: {  	s7 =	rddreg [dreg:$0x6];
	s26 =	simm.s32 $0x4C00  }
0x34: {  	[tilespmem:s26], [sflag:$0x5] =	stream.linear.gather [hbm4b:s7+s5], $0x20, $0x38;
	[tilespmem:$0x1D320] =	vst v63  }
0x35: {  	_ =	swait.ge [sflag:s28], $0x20  }
0x36: {  	[sflag:s28] =	ssyncset.done $0x0  }
0x37: {  	[sflag:s28] =	ssyncadd.s32 $0xFFFFFFE0  }
0x38: {  	s7 =	simm.s32 $0xC40;
	v2 =	vld [tilespmem:$0x4C00]  }
0x39: {  	v3 =	vld [tilespmem:$0x4C10];
	[tilespmem:s7+$0xFFFFFFC0] =	vst v0  }
0x3a: {  	[tilespmem:s7+$0x30] =	vst v0  }
0x3b: {  	[tilespmem:s7+$0x20] =	vst v0  }
0x3c: {  	[tilespmem:s7+$0x10] =	vst v0  }
0x3d: {  	[tilespmem:s7+$0x0] =	vst v0  }
0x3e: {  	[tilespmem:s7+$0xFFFFFFF0] =	vst v0  }
0x3f: {  	s10 =	simm.s32 $0x0;
	[tilespmem:s7+$0xFFFFFFE0] =	vst v0  }
.LBB2_2:
0x40: {  	s10 =	sadd.s32 $0x8, s10;
	[tilespmem:s7+$0xFFFFFFD0] =	vst v0;
	s7 =	sadd.s32 $0x80, s7  }
0x41: {  	[tilespmem:s7+$0xFFFFFFC0] =	vst v0;
	p0 =	slt.u32 s10, $0x1F8  }
0x42: {  	[tilespmem:s7+$0x30] =	vst v0  }
.Ltmp2:
0x43: {  	[tilespmem:s7+$0x20] =	vst v0;
	(pc) =	sbr.rel @p0 .LBB2_2-.Ltmp2, $4  }
0x44: {  	[tilespmem:s7+$0x10] =	vst v0  }
0x45: {  	[tilespmem:s7+$0x0] =	vst v0  }
0x46: {  	[tilespmem:s7+$0xFFFFFFF0] =	vst v0  }
0x47: {  	[tilespmem:s7+$0xFFFFFFE0] =	vst v0  }
0x48: {  	[tilespmem:s7+$0xFFFFFFD0] =	vst v0  }
0x49: {  	[spmem:s14] =	stream.linear.scatter [tilespmem:s29], [sflag:$0x5], $0x2000, $0x38;
	[tilespmem:$0x1D320] =	vst v63  }
0x4a: {  	_ =	swait.ge [sflag:s28], $0x2000  }
0x4b: {  	[sflag:s28] =	ssyncset.done $0x0  }
0x4c: {  	s14 =	rddreg [dreg:$0x8];
	[sflag:s28] =	ssyncadd.s32 $0xFFFFE000  }
0x4d: {  	[spmem:s14] =	stream.linear.scatter [tilespmem:s29], [sflag:$0x5], $0x2000, $0x38;
	[tilespmem:$0x1D320] =	vst v63  }
0x4e: {  	_ =	swait.ge [sflag:s28], $0x2000  }
0x4f: {  	[sflag:s28] =	ssyncset.done $0x0  }
0x50: {  	s24 =	rddreg [dreg:$0x9];
	[sflag:s28] =	ssyncadd.s32 $0xFFFFE000  }
0x51: {  	[spmem:s24] =	stream.linear.scatter [tilespmem:s29], [sflag:$0x5], $0x2000, $0x38;
	[tilespmem:$0x1D320] =	vst v63  }
0x52: {  	_ =	swait.ge [sflag:s28], $0x2000  }
0x53: {  	[sflag:s28] =	ssyncset.done $0x0  }
0x54: {  	s26 =	rddreg [dreg:$0xa];
	[sflag:s28] =	ssyncadd.s32 $0xFFFFE000  }
0x55: {  	[spmem:s26] =	stream.linear.scatter [tilespmem:s29], [sflag:$0x5], $0x2000, $0x38;
	[tilespmem:$0x1D320] =	vst v63  }
0x56: {  	_ =	swait.ge [sflag:s28], $0x2000  }
0x57: {  	[sflag:s28] =	ssyncset.done $0x0  }
0x58: {  	s10 =	rddreg [dreg:$0xb];
	[sflag:s28] =	ssyncadd.s32 $0xFFFFE000  }
0x59: {  	[spmem:s10] =	stream.linear.scatter [tilespmem:s29], [sflag:$0x5], $0x2000, $0x38;
	[tilespmem:$0x1D320] =	vst v63  }
0x5a: {  	_ =	swait.ge [sflag:s28], $0x2000  }
0x5b: {  	[sflag:s28] =	ssyncset.done $0x0  }
0x5c: {  	s14 =	rddreg [dreg:$0xc];
	[sflag:s28] =	ssyncadd.s32 $0xFFFFE000  }
0x5d: {  	[spmem:s14] =	stream.linear.scatter [tilespmem:s29], [sflag:$0x5], $0x2000, $0x38;
	[tilespmem:$0x1D320] =	vst v63  }
0x5e: {  	_ =	swait.ge [sflag:s28], $0x2000  }
0x5f: {  	[sflag:s28] =	ssyncset.done $0x0  }
0x60: {  	s24 =	rddreg [dreg:$0xd];
	[sflag:s28] =	ssyncadd.s32 $0xFFFFE000  }
0x61: {  	[spmem:s24] =	stream.linear.scatter [tilespmem:s29], [sflag:$0x5], $0x2000, $0x38;
	[tilespmem:$0x1D320] =	vst v63  }
0x62: {  	_ =	swait.ge [sflag:s28], $0x2000  }
0x63: {  	[sflag:s28] =	ssyncset.done $0x0  }
0x64: {  	s26 =	rddreg [dreg:$0xe];
	[sflag:s28] =	ssyncadd.s32 $0xFFFFE000  }
0x65: {  	[spmem:s26] =	stream.linear.scatter [tilespmem:s29], [sflag:$0x5], $0x2000, $0x38;
	[tilespmem:$0x1D320] =	vst v63  }
0x66: {  	_ =	swait.ge [sflag:s28], $0x2000  }
0x67: {  	[sflag:s28] =	ssyncset.done $0x0  }
0x68: {  	s10 =	rddreg [dreg:$0xf];
	[sflag:s28] =	ssyncadd.s32 $0xFFFFE000  }
0x69: {  	[spmem:s10] =	stream.linear.scatter [tilespmem:s29], [sflag:$0x5], $0x2000, $0x38;
	[tilespmem:$0x1D320] =	vst v63  }
0x6a: {  	_ =	swait.ge [sflag:s28], $0x2000  }
0x6b: {  	[sflag:s28] =	ssyncset.done $0x0  }
0x6c: {  	s14 =	rddreg [dreg:$0x10];
	[sflag:s28] =	ssyncadd.s32 $0xFFFFE000  }
0x6d: {  	[spmem:s14] =	stream.linear.scatter [tilespmem:s29], [sflag:$0x5], $0x2000, $0x38;
	[tilespmem:$0x1D320] =	vst v63  }
0x6e: {  	_ =	swait.ge [sflag:s28], $0x2000  }
0x6f: {  	[sflag:s28] =	ssyncset.done $0x0  }
0x70: {  	s24 =	rddreg [dreg:$0x11];
	[sflag:s28] =	ssyncadd.s32 $0xFFFFE000  }
0x71: {  	[spmem:s24] =	stream.linear.scatter [tilespmem:s29], [sflag:$0x5], $0x2000, $0x38;
	[tilespmem:$0x1D320] =	vst v63  }
0x72: {  	_ =	swait.ge [sflag:s28], $0x2000  }
0x73: {  	[sflag:s28] =	ssyncset.done $0x0  }
0x74: {  	s26 =	rddreg [dreg:$0x13];
	[sflag:s28] =	ssyncadd.s32 $0xFFFFE000  }
0x75: {  	[spmem:s26] =	stream.linear.scatter [tilespmem:s29], [sflag:$0x5], $0x2000, $0x38;
	[tilespmem:$0x1D320] =	vst v63  }
0x76: {  	_ =	swait.ge [sflag:s28], $0x2000  }
0x77: {  	[sflag:s28] =	ssyncset.done $0x0  }
0x78: {  	s10 =	rddreg [dreg:$0x14];
	[sflag:s28] =	ssyncadd.s32 $0xFFFFE000  }
0x79: {  	[spmem:s10] =	stream.linear.scatter [tilespmem:s29], [sflag:$0x5], $0x700, $0x38;
	[tilespmem:$0x1D320] =	vst v63  }
0x7a: {  	_ =	swait.ge [sflag:s28], $0x700  }
0x7b: {  	[sflag:s28] =	ssyncset.done $0x0  }
0x7c: {  	[sflag:s28] =	ssyncadd.s32 $0xFFFFF900  }
0x7d: {  	[bflag:$0x0] =	sbarrier.arrive $0xFFFF  }
0x7e: {  	s7 =	simm.s32 $0x0;
	s10 =	rddreg [dreg:$0x15]  }
0x7f: {  	[tilespmem:s7], [sflag:$0x5] =	stream.linear.gather [hbm4b:s10+s7], $0x400, $0x38;
	[tilespmem:$0x1D320] =	vst v63  }
0x80: {  	_ =	swait.ge [sflag:s28], $0x400  }
0x81: {  	[sflag:s28] =	ssyncset.done $0x0  }
0x82: {  	s14 =	rddreg [dreg:$0x16];
	[sflag:s28] =	ssyncadd.s32 $0xFFFFFC00  }
0x83: {  	[tilespmem:s30], [sflag:$0x5] =	stream.linear.gather [hbm4b:s14+s7], $0x200, $0x38;
	[tilespmem:$0x1D320] =	vst v63  }
0x84: {  	_ =	swait.ge [sflag:s28], $0x200  }
0x85: {  	[sflag:s28] =	ssyncset.done $0x0  }
0x86: {  	[sflag:s28] =	ssyncadd.s32 $0xFFFFFE00  }
0x87: {  	[tilespmem:s29], [sflag:$0x1] =	stream.indirect.gather [hbm4b:s6+s31], $0x10, s7, s31, $0xb8;
	[tilespmem:$0x1D320] =	vst v63  }
0x88: {  	s24 =	simm.s32 $0x100;
	s26 =	simm.s32 $0x1400  }
0x89: {  	[tilespmem:s26], [sflag:$0x1] =	stream.indirect.gather [hbm4b:s6+s31], $0x10, s24, s31, $0xb8;
	[tilespmem:$0x1D320] =	vst v63  }
.Ltmp3:
0x8a: {  	_ = 	snop;
	(pc) =	sbr.rel .LBB2_4-.Ltmp3, $4  }
0x8b: {  	s24 =	simm.s32 $0x200;
	s26 =	simm.s32 $0x1C00  }
0x8c: {  	[tilespmem:s26], [sflag:$0x1] =	stream.indirect.gather [hbm4b:s6+s31], $0x10, s24, s31, $0xb8;
	[tilespmem:$0x1D320] =	vst v63  }
0x8d: {  	s24 =	simm.s32 $0x300;
	s26 =	simm.s32 $0x2400  }
0x8e: {  	[tilespmem:s26], [sflag:$0x1] =	stream.indirect.gather [hbm4b:s6+s31], $0x10, s24, s31, $0xb8;
	[tilespmem:$0x1D320] =	vst v63  }
.LBB2_16:
0x8f: {  	p0 =	sne.s32 s26, $0x64  }
.Ltmp4:
0x90: {  	_ = 	snop;
	(pc) =	sbr.rel @!p0 .LBB2_17-.Ltmp4, $2  }
0x91: {  	_ =	sdelay $0x2  }
0x92: {  	s7 =	smov.u32 s26  }
.LBB2_4:
0x93: {  	p0 =	seq.s32 s7, $0x0  }
.Ltmp5:
0x94: {  	_ = 	snop;
	(pc) =	sbr.rel @p0 .LBB2_8-.Ltmp5, $2  }
0x95: {  	_ =	sdelay $0x2  }
0x96: {  	s26 =	sadd.s32 $0x1, s7  }
0x97: {  	p0 =	seq.s32 s7, $0x63  }
.Ltmp6:
0x98: {  	_ = 	snop;
	(pc) =	sbr.rel @p0 .LBB2_13-.Ltmp6, $1  }
0x99: {  	_ =	sdelay $0x3  }
0x9a: {  	s10 =	sand.u32 $0x1, s7  }
0x9b: {  	p0 =	seq.s32 s10, $0x1  }
.Ltmp7:
0x9c: {  	_ = 	snop;
	(pc) =	sbr.rel @p0 .LBB2_12-.Ltmp7, $1  }
0x9d: {  	_ =	sdelay $0x3  }
0x9e: {  	_ =	swait.ge [sflag:s23], $0x2000  }
0x9f: {  	[sflag:s23] =	ssyncset.done $0x0  }
0xa0: {  	[sflag:s23] =	ssyncadd.s32 $0xFFFFE000  }
.LBB2_8:
0xa1: {  	s10 =	sshll.u32 s26, $0x2  }
0xa2: {  	s10 =	sadd.s32 s22, s10  }
0xa3: {  	s14 =	sshll.u32 s10, $0x5  }
0xa4: {  	s14 =	sand.u32 $0x1FFFFF80, s14  }
0xa5: {  	s14 =	sadd.s32 s1, s14  }
0xa6: {  	[tilespmem:s11], [sflag:$0x5] =	stream.linear.gather [hbm4b:s14+s5], $0x400, $0x38;
	[tilespmem:$0x1D320] =	vst v63  }
0xa7: {  	s10 =	sshll.u32 s10, $0x4;
	_ =	swait.ge [sflag:s28], $0x400  }
0xa8: {  	s10 =	sand.u32 $0x1FFFFFC0, s10;
	[sflag:s28] =	ssyncset.done $0x0  }
0xa9: {  	s10 =	sadd.s32 s2, s10;
	[sflag:s28] =	ssyncadd.s32 $0xFFFFFC00  }
0xaa: {  	[tilespmem:s12], [sflag:$0x5] =	stream.linear.gather [hbm4b:s10+s5], $0x200, $0x38;
	[tilespmem:$0x1D320] =	vst v63  }
0xab: {  	_ =	swait.ge [sflag:s28], $0x200  }
0xac: {  	[sflag:s28] =	ssyncset.done $0x0  }
0xad: {  	s7 =	sand.u32 $0x1, s7;
	[sflag:s28] =	ssyncadd.s32 $0xFFFFFE00  }
0xae: {  	[tilespmem:s13], [sflag:$0x2] =	stream.indirect.gather [hbm4b:s6+s31], $0x10, s11, s31, $0xb8;
	[tilespmem:$0x1D320] =	vst v63  }
0xaf: {  	s24 =	simm.s32 $0x500;
	p0 =	seq.s32 s7, $0x1  }
0xb0: {  	[tilespmem:s15], [sflag:$0x2] =	stream.indirect.gather [hbm4b:s6+s31], $0x10, s24, s31, $0xb8;
	[tilespmem:$0x1D320] =	vst v63  }
.Ltmp8:
0xb1: {  	_ = 	snop;
	(pc) =	sbr.rel @p0 .LBB2_13-.Ltmp8, $4  }
0xb2: {  	_ = 	snop  }
0xb3: {  	[tilespmem:s17], [sflag:$0x2] =	stream.indirect.gather [hbm4b:s6+s31], $0x10, s16, s31, $0xb8;
	[tilespmem:$0x1D320] =	vst v63  }
0xb4: {  	_ = 	snop  }
0xb5: {  	[tilespmem:s19], [sflag:$0x2] =	stream.indirect.gather [hbm4b:s6+s31], $0x10, s18, s31, $0xb8;
	[tilespmem:$0x1D320] =	vst v63  }
0xb6: {  	s7 =	simm.s32 $0x0  }
0xb7: {  	s10 =	simm.s32 $0x1;
	s14 =	simm.s32 $0x2;
	s24 =	simm.s32 $0x5;
	v4 =	vmov s7  }
0xb8: {  	v5 =	vmov s10;
	s10 =	simm.s32 $0x3;
	v6 =	vmov s14;
	s14 =	simm.s32 $0x4;
	v9 =	vmov s24  }
0xb9: {  	v7 =	vmov s10;
	v4 =	vshrl.u32 v4, $0x3;
	v8 =	vmov s14  }
0xba: {  	s10 =	simm.s32 $0x6;
	v5 =	vshrl.u32 v5, $0x3;
	v6 =	vshrl.u32 v6, $0x3;
	v9 =	vshrl.u32 v9, $0x3  }
0xbb: {  	v4 =	vshll.u32 v4, v1;
	v10 =	vmov s10;
	v7 =	vshrl.u32 v7, $0x3  }
0xbc: {  	s14 =	simm.s32 $0x7;
	v8 =	vshrl.u32 v8, $0x3;
	v5 =	vshll.u32 v5, v1;
	v6 =	vshll.u32 v6, v1  }
0xbd: {  	v11 =	vmov s14;
	v9 =	vshll.u32 v9, v1;
	v4 =	vbroadcast v4, $0x0  }
0xbe: {  	v10 =	vshrl.u32 v10, $0x3;
	v7 =	vshll.u32 v7, v1;
	v5 =	vadd.s32 $0x1, v5  }
0xbf: {  	_ =	swait.ge [sflag:s20], $0x2000;
	v8 =	vshll.u32 v8, v1;
	v6 =	vadd.s32 $0x2, v6;
	v5 =	vbroadcast v5, $0x0  }
0xc0: {  	[sflag:s20] =	ssyncset.done $0x0;
	v11 =	vshrl.u32 v11, $0x3;
	v7 =	vadd.s32 $0x3, v7;
	v6 =	vbroadcast v6, $0x0  }
0xc1: {  	s7 =	simm.s32 $0xC40;
	[sflag:s20] =	ssyncadd.s32 $0xFFFFE000;
	v8 =	vadd.s32 $0x4, v8;
	v11 =	vshll.u32 v11, v1;
	v7 =	vbroadcast v7, $0x0  }
0xc2: {  	s14 =	simm.s32 $0xA;
	v21 =	vld [tilespmem:s7+$0x30];
	v9 =	vadd.s32 $0x5, v9;
	v8 =	vbroadcast v8, $0x0;
	v11 =	vadd.s32 $0x7, v11  }
0xc3: {  	v22 =	vld [tilespmem:s7+$0xFFFFFFC0];
	v14 =	vmov s14;
	s14 =	simm.s32 $0xD;
	v10 =	vshll.u32 v10, v1;
	v11 =	vbroadcast v11, $0x0  }
0xc4: {  	s24 =	simm.s32 $0x8;
	s10 =	simm.s32 $0x9;
	v9 =	vbroadcast v9, $0x0;
	v17 =	vmov s14;
	v10 =	vadd.s32 $0x6, v10;
	v12 =	vld.idx.msk [tilespmem:v4+s30+$0x0], $0xffff  }
0xc5: {  	v4 =	vmov s24;
	s24 =	simm.s32 $0xB;
	v13 =	vld.idx.msk [tilespmem:v5+s30+$0x0], $0xffff;
	v5 =	vbroadcast v10, $0x0;
	v10 =	vmov s10;
	s10 =	simm.s32 $0xC  }
0xc6: {  	v15 =	vmov s24;
	v16 =	vld.idx.msk [tilespmem:v6+s30+$0x0], $0xffff;
	v4 =	vshrl.u32 v4, $0x3;
	s24 =	simm.s32 $0xE;
	v6 =	vmov s10  }
0xc7: {  	v18 =	vld.idx.msk [tilespmem:v7+s30+$0x0], $0xffff;
	v4 =	vshll.u32 v4, v1;
	v7 =	vshrl.u32 v10, $0x3;
	v10 =	vmov s24  }
0xc8: {  	v19 =	vld.idx.msk [tilespmem:v8+s30+$0x0], $0xffff;
	v8 =	vshrl.u32 v14, $0x3;
	v14 =	vshrl.u32 v15, $0x3;
	v15 =	vshrl.u32 v17, $0x3  }
0xc9: {  	v6 =	vshrl.u32 v6, $0x3;
	v11 =	vld.idx.msk [tilespmem:v11+s30+$0x0], $0xffff;
	v4 =	vbroadcast v4, $0x0;
	v10 =	vshrl.u32 v10, $0x3  }
0xca: {  	v17 =	vld.idx.msk [tilespmem:v9+s30+$0x0], $0xffff;
	v7 =	vshll.u32 v7, v1;
	v8 =	vshll.u32 v8, v1;
	v9 =	vshll.u32 v14, v1  }
0xcb: {  	v23 =	vld [tilespmem:s7+$0xFFFFFFD0];
	v15 =	vshll.u32 v15, v1;
	v20 =	vshll.u32 v10, v1;
	v9 =	vadd.s32 $0x3, v9  }
0xcc: {  	v12 =	vmul.f32 v12, v2;
	v14 =	vld.idx.msk [tilespmem:v5+s30+$0x0], $0xffff;
	v5 =	vshll.u32 v6, v1;
	v6 =	vadd.s32 $0x1, v7  }
0xcd: {  	v10 =	vadd.s32 $0x5, v15;
	v15 =	vld [tilespmem:s7+$0xFFFFFFE0];
	v7 =	vadd.s32 $0x2, v8;
	v8 =	vbroadcast v6, $0x0  }
0xce: {  	v24 =	vld [tilespmem:s7+$0x0];
	v12 =	vadd.f32 v12, v22;
	v6 =	vbroadcast v7, $0x0;
	v11 =	vmul.f32 v11, v2  }
0xcf: {  	v7 =	vadd.s32 $0x4, v5;
	v5 =	vbroadcast v9, $0x0;
	v9 =	vadd.s32 $0x6, v20;
	v20 =	vld [tilespmem:s7+$0xFFFFFFF0]  }
0xd0: {  	v13 =	vmul.f32 v13, v2;
	v16 =	vmul.f32 v16, v2;
	v21 =	vadd.f32 v11, v21  }
0xd1: {  	v18 =	vmul.f32 v18, v2;
	v19 =	vmul.f32 v19, v2;
	v22 =	vadd.f32 v12, v3;
	v12 =	vld [tilespmem:s7+$0x10]  }
0xd2: {  	v16 =	vadd.f32 v16, v15;
	v21 =	vadd.f32 v21, v3;
	v15 =	vmul.f32 v14, v2;
	v14 =	vld [tilespmem:s7+$0x20]  }
0xd3: {  	v13 =	vadd.f32 v13, v23;
	v7 =	vbroadcast v7, $0x0;
	v19 =	vadd.f32 v19, v24  }
0xd4: {  	v11 =	vmul.f32 v17, v2;
	v17 =	vadd.f32 v18, v20;
	v20 =	vmax.f32 v21, $0.0e+00  }
0xd5: {  	s14 =	simm.s32 $0xF;
	s10 =	simm.s32 $0x10;
	v13 =	vadd.f32 v13, v3;
	v16 =	vadd.f32 v16, v3;
	v18 =	vmax.f32 v22, $0.0e+00;
	[tilespmem:s7+$0x30] =	vst v20  }
.LBB2_10:
0xd6: {  	p0 =	slt.u32 s10, $0x1F8;
	v20 =	vmov s14;
	[tilespmem:s7+$0xFFFFFFC0] =	vst v18;
	v17 =	vadd.f32 v17, v3;
	v11 =	vadd.f32 v11, v12  }
0xd7: {  	v12 =	vshrl.u32 v20, $0x3;
	v18 =	vadd.f32 v19, v3;
	v14 =	vadd.f32 v15, v14  }
0xd8: {  	v13 =	vmax.f32 v13, $0.0e+00;
	v12 =	vshll.u32 v12, v1;
	v11 =	vadd.f32 v11, v3  }
0xd9: {  	v12 =	vadd.s32 $0x7, v12;
	[tilespmem:s7+$0xFFFFFFD0] =	vst v13;
	v13 =	vmax.f32 v16, $0.0e+00;
	v14 =	vadd.f32 v14, v3  }
0xda: {  	v15 =	vmax.f32 v18, $0.0e+00;
	v12 =	vbroadcast v12, $0x0;
	[tilespmem:s7+$0xFFFFFFE0] =	vst v13;
	v13 =	vmax.f32 v17, $0.0e+00  }
0xdb: {  	s14 =	sadd.s32 $0x1, s10;
	v10 =	vbroadcast v10, $0x0;
	v16 =	vld.idx.msk [tilespmem:v4+s30+$0x0], $0xffff;
	[tilespmem:s7+$0xFFFFFFF0] =	vst v13;
	v4 =	vmax.f32 v11, $0.0e+00;
	v11 =	vmax.f32 v14, $0.0e+00  }
0xdc: {  	s24 =	sadd.s32 $0x3, s10;
	v13 =	vmov s10;
	v14 =	vmov s14;
	s14 =	sadd.s32 $0x2, s10;
	v17 =	vld.idx.msk [tilespmem:v8+s30+$0x0], $0xffff;
	v8 =	vbroadcast v9, $0x0;
	[tilespmem:s7+$0x0] =	vst v15  }
0xdd: {  	v9 =	vmov s14;
	v15 =	vmov s24;
	s14 =	sadd.s32 $0x4, s10;
	s24 =	sadd.s32 $0x5, s10;
	v18 =	vld.idx.msk [tilespmem:v6+s30+$0x0], $0xffff;
	[tilespmem:s7+$0x10] =	vst v4  }
0xde: {  	v4 =	vshrl.u32 v13, $0x3;
	v6 =	vmov s14;
	v13 =	vmov s24;
	s14 =	sadd.s32 $0x6, s10;
	v19 =	vld.idx.msk [tilespmem:v5+s30+$0x0], $0xffff;
	[tilespmem:s7+$0x20] =	vst v11  }
0xdf: {  	v4 =	vshll.u32 v4, v1;
	v5 =	vshrl.u32 v14, $0x3;
	v11 =	vmov s14;
	v14 =	vld.idx.msk [tilespmem:v7+s30+$0x0], $0xffff  }
0xe0: {  	v6 =	vshrl.u32 v6, $0x3;
	v7 =	vshrl.u32 v9, $0x3;
	v9 =	vshrl.u32 v15, $0x3;
	v12 =	vld.idx.msk [tilespmem:v12+s30+$0x0], $0xffff  }
0xe1: {  	v13 =	vshrl.u32 v13, $0x3;
	v4 =	vbroadcast v4, $0x0;
	v11 =	vshrl.u32 v11, $0x3;
	v15 =	vld.idx.msk [tilespmem:v10+s30+$0x0], $0xffff  }
0xe2: {  	s7 =	sadd.s32 $0x80, s7;
	v5 =	vshll.u32 v5, v1;
	v7 =	vshll.u32 v7, v1;
	v9 =	vshll.u32 v9, v1;
	v20 =	vld.idx.msk [tilespmem:v8+s30+$0x0], $0xffff  }
0xe3: {  	v13 =	vshll.u32 v13, v1;
	v11 =	vshll.u32 v11, v1;
	v10 =	vshll.u32 v6, v1;
	v21 =	vld [tilespmem:s7+$0x30]  }
0xe4: {  	v5 =	vadd.s32 $0x1, v5;
	v6 =	vadd.s32 $0x2, v7;
	v7 =	vadd.s32 $0x3, v9;
	v22 =	vld [tilespmem:s7+$0xFFFFFFC0]  }
0xe5: {  	v8 =	vbroadcast v5, $0x0;
	v6 =	vbroadcast v6, $0x0;
	v9 =	vadd.s32 $0x4, v10;
	v23 =	vld [tilespmem:s7+$0xFFFFFFD0]  }
0xe6: {  	v5 =	vbroadcast v7, $0x0;
	v10 =	vadd.s32 $0x5, v13;
	v12 =	vmul.f32 v12, v2;
	v13 =	vld [tilespmem:s7+$0xFFFFFFE0]  }
0xe7: {  	v7 =	vbroadcast v9, $0x0;
	v9 =	vadd.s32 $0x6, v11;
	v11 =	vmul.f32 v16, v2;
	v16 =	vld [tilespmem:s7+$0xFFFFFFF0]  }
0xe8: {  	v17 =	vmul.f32 v17, v2;
	v18 =	vmul.f32 v18, v2;
	v24 =	vld [tilespmem:s7+$0x0];
	v21 =	vadd.f32 v12, v21  }
.Ltmp9:
0xe9: {  	v19 =	vmul.f32 v19, v2;
	v25 =	vmul.f32 v14, v2;
	v22 =	vadd.f32 v11, v22;
	v12 =	vld [tilespmem:s7+$0x10];
	(pc) =	sbr.rel @p0 .LBB2_10-.Ltmp9, $4  }
0xea: {  	v11 =	vmul.f32 v15, v2;
	v17 =	vadd.f32 v17, v23;
	v14 =	vld [tilespmem:s7+$0x20];
	v21 =	vadd.f32 v21, v3  }
0xeb: {  	v15 =	vmul.f32 v20, v2;
	v22 =	vadd.f32 v22, v3;
	v23 =	vadd.f32 v18, v13  }
0xec: {  	v13 =	vadd.f32 v17, v3;
	v17 =	vadd.f32 v19, v16;
	v20 =	vmax.f32 v21, $0.0e+00  }
0xed: {  	s14 =	sadd.s32 $0x7, s10;
	s10 =	sadd.s32 $0x8, s10;
	v18 =	vmax.f32 v22, $0.0e+00;
	v16 =	vadd.f32 v23, v3;
	v19 =	vadd.f32 v25, v24;
	[tilespmem:s7+$0x30] =	vst v20  }
0xee: {  	_ =	sdelay $0x3  }
0xef: {  	v4 =	vld.idx.msk [tilespmem:v4+s30+$0x0], $0xffff  }
0xf0: {  	v8 =	vld.idx.msk [tilespmem:v8+s30+$0x0], $0xffff  }
0xf1: {  	v6 =	vld.idx.msk [tilespmem:v6+s30+$0x0], $0xffff  }
0xf2: {  	v20 =	vmov s14;
	v5 =	vld.idx.msk [tilespmem:v5+s30+$0x0], $0xffff  }
0xf3: {  	v7 =	vld.idx.msk [tilespmem:v7+s30+$0x0], $0xffff;
	s10 =	sadd.s32 $0x80, s7;
	v20 =	vshrl.u32 v20, $0x3  }
0xf4: {  	v10 =	vbroadcast v10, $0x0;
	v56 =	vld [tilespmem:s10+$0xFFFFFFC0];
	v20 =	vshll.u32 v20, v1  }
0xf5: {  	v9 =	vbroadcast v9, $0x0;
	v21 =	vld [tilespmem:s10+$0xFFFFFFD0];
	v20 =	vadd.s32 $0x7, v20  }
0xf6: {  	v57 =	vld [tilespmem:s10+$0xFFFFFFE0];
	v20 =	vbroadcast v20, $0x0  }
0xf7: {  	v11 =	vadd.f32 v11, v12;
	v54 =	vadd.f32 v17, v3;
	v13 =	vmax.f32 v13, $0.0e+00;
	v58 =	vld [tilespmem:s10+$0xFFFFFFF0]  }
0xf8: {  	[tilespmem:s7+$0xFFFFFFC0] =	vst v18;
	v52 =	vadd.f32 v15, v14;
	v55 =	vadd.f32 v19, v3;
	v16 =	vmax.f32 v16, $0.0e+00;
	v59 =	vld [tilespmem:s10+$0x0]  }
0xf9: {  	[tilespmem:s7+$0xFFFFFFD0] =	vst v13;
	v60 =	vld [tilespmem:s10+$0x10];
	v11 =	vadd.f32 v11, v3;
	v15 =	vmax.f32 v54, $0.0e+00;
	v4 =	vmul.f32 v4, v2  }
0xfa: {  	v12 =	vadd.f32 v52, v3;
	v8 =	vmul.f32 v8, v2;
	v6 =	vmul.f32 v6, v2;
	v10 =	vld.idx.msk [tilespmem:v10+s30+$0x0], $0xffff  }
0xfb: {  	v5 =	vmul.f32 v5, v2;
	v7 =	vmul.f32 v7, v2;
	v9 =	vld.idx.msk [tilespmem:v9+s30+$0x0], $0xffff;
	v4 =	vadd.f32 v4, v56  }
0xfc: {  	[tilespmem:s7+$0xFFFFFFE0] =	vst v16;
	v17 =	vmax.f32 v55, $0.0e+00;
	v8 =	vadd.f32 v8, v21;
	v6 =	vadd.f32 v6, v57;
	v20 =	vld.idx.msk [tilespmem:v20+s30+$0x0], $0xffff  }
0xfd: {  	v61 =	vld [tilespmem:s10+$0x20];
	[tilespmem:s7+$0xFFFFFFF0] =	vst v15;
	v11 =	vmax.f32 v11, $0.0e+00;
	v5 =	vadd.f32 v5, v58;
	v7 =	vadd.f32 v7, v59  }
0xfe: {  	v53 =	vld [tilespmem:s10+$0x30];
	[tilespmem:s7+$0x0] =	vst v17;
	v12 =	vmax.f32 v12, $0.0e+00;
	v4 =	vadd.f32 v4, v3;
	v8 =	vadd.f32 v8, v3  }
0xff: {  	[tilespmem:s7+$0x10] =	vst v11;
	v6 =	vadd.f32 v6, v3;
	v7 =	vadd.f32 v7, v3;
	v10 =	vmul.f32 v10, v2  }
0x100: {  	[tilespmem:s7+$0x20] =	vst v12;
	v9 =	vmul.f32 v9, v2;
	v4 =	vmax.f32 v4, $0.0e+00;
	v8 =	vmax.f32 v8, $0.0e+00  }
0x101: {  	[tilespmem:s10+$0xFFFFFFC0] =	vst v4;
	v4 =	vadd.f32 v5, v3;
	v5 =	vadd.f32 v10, v60;
	v20 =	vmul.f32 v20, v2  }
0x102: {  	v6 =	vmax.f32 v6, $0.0e+00;
	[tilespmem:s10+$0xFFFFFFD0] =	vst v8;
	v9 =	vadd.f32 v9, v61  }
0x103: {  	v7 =	vmax.f32 v7, $0.0e+00;
	[tilespmem:s10+$0xFFFFFFE0] =	vst v6;
	v5 =	vadd.f32 v5, v3;
	v14 =	vadd.f32 v20, v53  }
0x104: {  	[tilespmem:s10+$0x0] =	vst v7;
	v4 =	vmax.f32 v4, $0.0e+00;
	v63 =	vadd.f32 v9, v3  }
0x105: {  	[tilespmem:s10+$0xFFFFFFF0] =	vst v4;
	v4 =	vmax.f32 v5, $0.0e+00;
	v14 =	vadd.f32 v14, v3  }
0x106: {  	v5 =	vmax.f32 v63, $0.0e+00;
	[tilespmem:s10+$0x10] =	vst v4  }
0x107: {  	[tilespmem:s10+$0x20] =	vst v5;
	v62 =	vmax.f32 v14, $0.0e+00  }
0x108: {  	[tilespmem:s10+$0x30] =	vst v62  }
0x109: {  	[spmem:s3] =	stream.indirect.scatter.add.f32 [tilespmem:s29], [sflag:$0x3], $0x10, s31, s31, $0xb8;
	[tilespmem:$0x1D320] =	vst v63  }
0x10a: {  	s14 =	simm.s32 $0x1400;
	s24 =	simm.s32 $0x180  }
0x10b: {  	[spmem:s3] =	stream.indirect.scatter.add.f32 [tilespmem:s14], [sflag:$0x3], $0x10, s24, s31, $0xb8;
	[tilespmem:$0x1D320] =	vst v63  }
.Ltmp10:
0x10c: {  	_ = 	snop;
	(pc) =	sbr.rel .LBB2_16-.Ltmp10, $4  }
0x10d: {  	s14 =	simm.s32 $0x1C00;
	s24 =	simm.s32 $0x280  }
0x10e: {  	[spmem:s3] =	stream.indirect.scatter.add.f32 [tilespmem:s14], [sflag:$0x3], $0x10, s24, s31, $0xb8;
	[tilespmem:$0x1D320] =	vst v63  }
0x10f: {  	s14 =	simm.s32 $0x2400;
	s24 =	simm.s32 $0x380  }
0x110: {  	[spmem:s3] =	stream.indirect.scatter.add.f32 [tilespmem:s14], [sflag:$0x3], $0x10, s24, s31, $0xb8;
	[tilespmem:$0x1D320] =	vst v63  }
.LBB2_12:
0x111: {  	s7 =	sshll.u32 s26, $0x2  }
0x112: {  	s7 =	sadd.s32 s22, s7  }
0x113: {  	_ =	swait.ge [sflag:s21], $0x2000;
	s10 =	sshll.u32 s7, $0x5  }
0x114: {  	[sflag:s21] =	ssyncset.done $0x0;
	s10 =	sand.u32 $0x1FFFFF00, s10  }
0x115: {  	[sflag:s21] =	ssyncadd.s32 $0xFFFFE000;
	s10 =	sadd.s32 s1, s10  }
0x116: {  	[tilespmem:s5], [sflag:$0x5] =	stream.linear.gather [hbm4b:s10+s5], $0x400, $0x38;
	[tilespmem:$0x1D320] =	vst v63  }
0x117: {  	s7 =	sshll.u32 s7, $0x4;
	_ =	swait.ge [sflag:s28], $0x400  }
0x118: {  	s7 =	sand.u32 $0x1FFFFF80, s7;
	[sflag:s28] =	ssyncset.done $0x0  }
0x119: {  	s7 =	sadd.s32 s2, s7;
	[sflag:s28] =	ssyncadd.s32 $0xFFFFFC00  }
0x11a: {  	[tilespmem:s30], [sflag:$0x5] =	stream.linear.gather [hbm4b:s7+s5], $0x200, $0x38;
	[tilespmem:$0x1D320] =	vst v63  }
0x11b: {  	_ =	swait.ge [sflag:s28], $0x200  }
0x11c: {  	[sflag:s28] =	ssyncset.done $0x0  }
0x11d: {  	[sflag:s28] =	ssyncadd.s32 $0xFFFFFE00  }
0x11e: {  	[tilespmem:s29], [sflag:$0x1] =	stream.indirect.gather [hbm4b:s6+s31], $0x10, s5, s31, $0xb8;
	[tilespmem:$0x1D320] =	vst v63  }
0x11f: {  	s14 =	simm.s32 $0x100;
	s24 =	simm.s32 $0x1400  }
0x120: {  	[tilespmem:s24], [sflag:$0x1] =	stream.indirect.gather [hbm4b:s6+s31], $0x10, s14, s31, $0xb8;
	[tilespmem:$0x1D320] =	vst v63  }
0x121: {  	s14 =	simm.s32 $0x200;
	s24 =	simm.s32 $0x1C00  }
0x122: {  	[tilespmem:s24], [sflag:$0x1] =	stream.indirect.gather [hbm4b:s6+s31], $0x10, s14, s31, $0xb8;
	[tilespmem:$0x1D320] =	vst v63  }
0x123: {  	s14 =	simm.s32 $0x300;
	s24 =	simm.s32 $0x2400  }
0x124: {  	[tilespmem:s24], [sflag:$0x1] =	stream.indirect.gather [hbm4b:s6+s31], $0x10, s14, s31, $0xb8;
	[tilespmem:$0x1D320] =	vst v63  }
.LBB2_13:
0x125: {  	s7 =	simm.s32 $0x0  }
0x126: {  	v4 =	vmov s7  }
0x127: {  	v4 =	vshrl.u32 v4, $0x3  }
0x128: {  	v4 =	vshll.u32 v4, v1  }
0x129: {  	v5 =	vadd.s32 $0x7, v4  }
0x12a: {  	_ =	swait.ge [sflag:s25], $0x2000;
	v6 =	vadd.s32 $0x1, v4;
	v5 =	vbroadcast v5, $0x0  }
0x12b: {  	[sflag:s25] =	ssyncset.done $0x0;
	v7 =	vadd.s32 $0x2, v4;
	v6 =	vbroadcast v6, $0x0  }
0x12c: {  	s7 =	simm.s32 $0x2C70;
	[sflag:s25] =	ssyncadd.s32 $0xFFFFE000;
	v11 =	vadd.s32 $0x6, v4;
	v7 =	vbroadcast v7, $0x0  }
0x12d: {  	v12 =	vld [tilespmem:s7+$0x0];
	v8 =	vadd.s32 $0x3, v4;
	v11 =	vbroadcast v11, $0x0  }
0x12e: {  	v16 =	vld [tilespmem:s7+$0xFFFFFF90];
	v9 =	vadd.s32 $0x4, v4;
	v8 =	vbroadcast v8, $0x0  }
0x12f: {  	v18 =	vld [tilespmem:s7+$0xFFFFFFB0];
	v9 =	vbroadcast v9, $0x0  }
0x130: {  	v10 =	vadd.s32 $0x5, v4;
	v4 =	vbroadcast v4, $0x0;
	v5 =	vld.idx.msk [tilespmem:v5+s12+$0x0], $0xffff  }
0x131: {  	s24 =	simm.s32 $0x8;
	v6 =	vld.idx.msk [tilespmem:v6+s12+$0x0], $0xffff  }
0x132: {  	v13 =	vmov s24;
	v7 =	vld.idx.msk [tilespmem:v7+s12+$0x0], $0xffff  }
0x133: {  	v10 =	vbroadcast v10, $0x0;
	v14 =	vld.idx.msk [tilespmem:v11+s12+$0x0], $0xffff;
	v11 =	vshrl.u32 v13, $0x3  }
0x134: {  	v8 =	vld.idx.msk [tilespmem:v8+s12+$0x0], $0xffff;
	v15 =	vshll.u32 v11, v1  }
0x135: {  	v9 =	vld.idx.msk [tilespmem:v9+s12+$0x0], $0xffff;
	v13 =	vadd.s32 $0x1, v15;
	v19 =	vadd.s32 $0x3, v15  }
0x136: {  	v4 =	vld.idx.msk [tilespmem:v4+s12+$0x0], $0xffff;
	v5 =	vmul.f32 v5, v2;
	v11 =	vmul.f32 v6, v2;
	v6 =	vadd.s32 $0x7, v15  }
0x137: {  	v20 =	vld [tilespmem:s7+$0xFFFFFFC0];
	v21 =	vadd.s32 $0x4, v15;
	v13 =	vbroadcast v13, $0x0;
	v17 =	vbroadcast v6, $0x0  }
0x138: {  	v19 =	vbroadcast v19, $0x0;
	v26 =	vmul.f32 v7, v2;
	v5 =	vadd.f32 v5, v12;
	v12 =	vld [tilespmem:s7+$0xFFFFFFA0]  }
0x139: {  	v10 =	vld.idx.msk [tilespmem:v10+s12+$0x0], $0xffff;
	v22 =	vadd.s32 $0x5, v15;
	v7 =	vbroadcast v21, $0x0;
	v8 =	vmul.f32 v8, v2  }
0x13a: {  	v24 =	vld [tilespmem:s7+$0xFFFFFFD0];
	v9 =	vmul.f32 v9, v2;
	v14 =	vmul.f32 v14, v2;
	v6 =	vadd.s32 $0x2, v15  }
0x13b: {  	v25 =	vld [tilespmem:s7+$0xFFFFFFE0];
	v23 =	vbroadcast v6, $0x0;
	v26 =	vadd.f32 v26, v18;
	v18 =	vmul.f32 v4, v2  }
0x13c: {  	v63 =	vld [tilespmem:s7+$0xFFFFFFF0];
	v6 =	vbroadcast v22, $0x0;
	v20 =	vadd.f32 v8, v20;
	v5 =	vadd.f32 v5, v3  }
0x13d: {  	v18 =	vadd.f32 v18, v16;
	v62 =	vadd.f32 v11, v12;
	v12 =	vadd.s32 $0x6, v15;
	v11 =	vld.idx.msk [tilespmem:v17+s12+$0x0], $0xffff  }
0x13e: {  	s14 =	simm.s32 $0x2CF0;
	v5 =	vmax.f32 v5, $0.0e+00;
	v17 =	vmul.f32 v10, v2;
	v10 =	vld.idx.msk [tilespmem:v13+s12+$0x0], $0xffff;
	v8 =	vbroadcast v12, $0x0  }
0x13f: {  	v13 =	vadd.f32 v9, v24;
	v9 =	vbroadcast v15, $0x0;
	v12 =	vld [tilespmem:s14+$0x0];
	v21 =	vadd.f32 v62, v3  }
0x140: {  	v16 =	vadd.f32 v26, v3;
	[tilespmem:s7+$0x0] =	vst v5;
	v5 =	vld.idx.msk [tilespmem:v19+s12+$0x0], $0xffff;
	v17 =	vadd.f32 v17, v25  }
0x141: {  	s10 =	simm.s32 $0x2CF0;
	v15 =	vadd.f32 v14, v63;
	v14 =	vadd.f32 v20, v3;
	v4 =	vld.idx.msk [tilespmem:v23+s12+$0x0], $0xffff;
	v19 =	vmax.f32 v21, $0.0e+00  }
.LBB2_14:
0x142: {  	s24 =	sadd.s32 $0x8, s24;
	v20 =	vld.idx.msk [tilespmem:v7+s12+$0x0], $0xffff;
	v7 =	vmul.f32 v11, v2;
	v11 =	vadd.f32 v13, v3;
	v13 =	vadd.f32 v17, v3  }
0x143: {  	v18 =	vadd.f32 v18, v3;
	v15 =	vadd.f32 v15, v3;
	v17 =	vmov s24;
	p0 =	slt.u32 s24, $0x1F8;
	v21 =	vld.idx.msk [tilespmem:v6+s12+$0x0], $0xffff;
	[tilespmem:s7+$0xFFFFFFA0] =	vst v19  }
0x144: {  	v10 =	vmul.f32 v10, v2;
	v6 =	vshrl.u32 v17, $0x3;
	v17 =	vld.idx.msk [tilespmem:v8+s12+$0x0], $0xffff;
	v7 =	vadd.f32 v7, v12  }
0x145: {  	v8 =	vmax.f32 v14, $0.0e+00;
	v12 =	vshll.u32 v6, v1;
	v19 =	vld.idx.msk [tilespmem:v9+s12+$0x0], $0xffff;
	v6 =	vmax.f32 v16, $0.0e+00  }
0x146: {  	v9 =	vadd.s32 $0x1, v12;
	v14 =	vadd.s32 $0x7, v12;
	v16 =	vld [tilespmem:s14+$0xFFFFFF90];
	v7 =	vadd.f32 v7, v3;
	[tilespmem:s7+$0xFFFFFFB0] =	vst v6  }
0x147: {  	v6 =	vadd.s32 $0x2, v12;
	v22 =	vadd.s32 $0x3, v12;
	v14 =	vbroadcast v14, $0x0;
	v23 =	vld [tilespmem:s14+$0xFFFFFFA0];
	[tilespmem:s7+$0xFFFFFFC0] =	vst v8  }
0x148: {  	v24 =	vadd.s32 $0x5, v12;
	v8 =	vadd.s32 $0x4, v12;
	v25 =	vld [tilespmem:s14+$0xFFFFFFB0];
	v7 =	vmax.f32 v7, $0.0e+00  }
0x149: {  	v26 =	vbroadcast v9, $0x0;
	v27 =	vbroadcast v6, $0x0;
	v9 =	vadd.s32 $0x6, v12;
	v28 =	vld [tilespmem:s14+$0xFFFFFFC0];
	[tilespmem:s14+$0x0] =	vst v7  }
0x14a: {  	v11 =	vmax.f32 v11, $0.0e+00;
	v22 =	vbroadcast v22, $0x0;
	v7 =	vbroadcast v8, $0x0;
	v29 =	vld [tilespmem:s14+$0xFFFFFFD0]  }
0x14b: {  	v6 =	vbroadcast v24, $0x0;
	v8 =	vbroadcast v9, $0x0;
	v24 =	vld [tilespmem:s14+$0xFFFFFFE0];
	[tilespmem:s7+$0xFFFFFFD0] =	vst v11;
	v11 =	vmax.f32 v13, $0.0e+00  }
0x14c: {  	v4 =	vmul.f32 v4, v2;
	v9 =	vbroadcast v12, $0x0;
	v23 =	vadd.f32 v10, v23;
	v30 =	vld [tilespmem:s14+$0xFFFFFFF0];
	[tilespmem:s7+$0xFFFFFFE0] =	vst v11  }
0x14d: {  	v5 =	vmul.f32 v5, v2;
	v12 =	vmul.f32 v20, v2;
	v10 =	vmax.f32 v15, $0.0e+00;
	v11 =	vld.idx.msk [tilespmem:v14+s12+$0x0], $0xffff  }
.Ltmp11:
0x14e: {  	v15 =	vmul.f32 v17, v2;
	v14 =	vadd.f32 v4, v25;
	v4 =	vmul.f32 v21, v2;
	[tilespmem:s7+$0xFFFFFFF0] =	vst v10;
	(pc) =	sbr.rel @p0 .LBB2_14-.Ltmp11, $4  }
0x14f: {  	v19 =	vmul.f32 v19, v2;
	s14 =	sadd.s32 $0x80, s14;
	v20 =	vadd.f32 v5, v28;
	v10 =	vld.idx.msk [tilespmem:v26+s12+$0x0], $0xffff;
	v13 =	vadd.f32 v12, v29  }
0x150: {  	v21 =	vadd.f32 v23, v3;
	v5 =	vmax.f32 v18, $0.0e+00;
	v12 =	vld [tilespmem:s14+$0x0];
	v17 =	vadd.f32 v4, v24  }
0x151: {  	v18 =	vadd.f32 v19, v16;
	v4 =	vld.idx.msk [tilespmem:v27+s12+$0x0], $0xffff;
	v15 =	vadd.f32 v15, v30;
	[tilespmem:s7+$0xFFFFFF90] =	vst v5;
	s7 =	smov.u32 s10;
	s10 =	smov.u32 s14  }
0x152: {  	v16 =	vadd.f32 v14, v3;
	v19 =	vmax.f32 v21, $0.0e+00;
	v14 =	vadd.f32 v20, v3;
	v5 =	vld.idx.msk [tilespmem:v22+s12+$0x0], $0xffff  }
0x153: {  	_ =	sdelay $0x3  }
0x154: {  	v7 =	vld.idx.msk [tilespmem:v7+s12+$0x0], $0xffff  }
0x155: {  	v6 =	vld.idx.msk [tilespmem:v6+s12+$0x0], $0xffff  }
0x156: {  	v8 =	vld.idx.msk [tilespmem:v8+s12+$0x0], $0xffff  }
0x157: {  	v55 =	vld [tilespmem:s14+$0xFFFFFFA0]  }
0x158: {  	v11 =	vmul.f32 v11, v2;
	v13 =	vadd.f32 v13, v3;
	v17 =	vadd.f32 v17, v3;
	v9 =	vld.idx.msk [tilespmem:v9+s12+$0x0], $0xffff  }
0x159: {  	v18 =	vadd.f32 v18, v3;
	v20 =	vld [tilespmem:s14+$0xFFFFFFB0];
	v15 =	vadd.f32 v15, v3;
	v10 =	vmul.f32 v10, v2  }
0x15a: {  	[tilespmem:s7+$0xFFFFFFA0] =	vst v19;
	v56 =	vld [tilespmem:s14+$0xFFFFFFC0];
	v16 =	vmax.f32 v16, $0.0e+00;
	v14 =	vmax.f32 v14, $0.0e+00;
	v11 =	vadd.f32 v11, v12  }
0x15b: {  	v57 =	vld [tilespmem:s14+$0xFFFFFFD0];
	[tilespmem:s7+$0xFFFFFFB0] =	vst v16;
	v13 =	vmax.f32 v13, $0.0e+00;
	v17 =	vmax.f32 v17, $0.0e+00;
	v60 =	vmax.f32 v15, $0.0e+00  }
0x15c: {  	v58 =	vld [tilespmem:s14+$0xFFFFFFE0];
	[tilespmem:s7+$0xFFFFFFC0] =	vst v14;
	v62 =	vmax.f32 v18, $0.0e+00;
	v4 =	vmul.f32 v4, v2;
	v11 =	vadd.f32 v11, v3  }
0x15d: {  	v59 =	vld [tilespmem:s14+$0xFFFFFFF0];
	[tilespmem:s7+$0xFFFFFFD0] =	vst v13;
	v5 =	vmul.f32 v5, v2;
	v10 =	vadd.f32 v10, v55;
	v7 =	vmul.f32 v7, v2  }
0x15e: {  	v61 =	vld [tilespmem:s14+$0xFFFFFF90];
	[tilespmem:s7+$0xFFFFFFE0] =	vst v17;
	v4 =	vadd.f32 v4, v20;
	v6 =	vmul.f32 v6, v2;
	v8 =	vmul.f32 v8, v2  }
0x15f: {  	[tilespmem:s7+$0xFFFFFFF0] =	vst v60;
	v9 =	vmul.f32 v9, v2;
	v5 =	vadd.f32 v5, v56;
	v10 =	vadd.f32 v10, v3  }
0x160: {  	[tilespmem:s7+$0xFFFFFF90] =	vst v62;
	v11 =	vmax.f32 v11, $0.0e+00;
	v7 =	vadd.f32 v7, v57;
	v4 =	vadd.f32 v4, v3  }
0x161: {  	[tilespmem:s14+$0x0] =	vst v11;
	v6 =	vadd.f32 v6, v58;
	v5 =	vadd.f32 v5, v3;
	v10 =	vmax.f32 v10, $0.0e+00  }
0x162: {  	v8 =	vadd.f32 v8, v59;
	v7 =	vadd.f32 v7, v3;
	v4 =	vmax.f32 v4, $0.0e+00;
	[tilespmem:s10+$0xFFFFFFA0] =	vst v10  }
0x163: {  	v9 =	vadd.f32 v9, v61;
	v6 =	vadd.f32 v6, v3;
	v5 =	vmax.f32 v5, $0.0e+00;
	[tilespmem:s10+$0xFFFFFFB0] =	vst v4  }
0x164: {  	v4 =	vadd.f32 v8, v3;
	[tilespmem:s10+$0xFFFFFFC0] =	vst v5;
	v5 =	vmax.f32 v7, $0.0e+00  }
0x165: {  	v63 =	vadd.f32 v9, v3;
	[tilespmem:s10+$0xFFFFFFD0] =	vst v5;
	v5 =	vmax.f32 v6, $0.0e+00  }
0x166: {  	v4 =	vmax.f32 v4, $0.0e+00;
	[tilespmem:s10+$0xFFFFFFE0] =	vst v5  }
0x167: {  	[tilespmem:s10+$0xFFFFFFF0] =	vst v4;
	v4 =	vmax.f32 v63, $0.0e+00  }
0x168: {  	[tilespmem:s10+$0xFFFFFF90] =	vst v4  }
0x169: {  	[spmem:s3] =	stream.indirect.scatter.add.f32 [tilespmem:s13], [sflag:$0x4], $0x10, s8, s31, $0xb8;
	[tilespmem:$0x1D320] =	vst v63  }
0x16a: {  	_ = 	snop  }
0x16b: {  	[spmem:s3] =	stream.indirect.scatter.add.f32 [tilespmem:s15], [sflag:$0x4], $0x10, s0, s31, $0xb8;
	[tilespmem:$0x1D320] =	vst v63  }
.Ltmp12:
0x16c: {  	_ = 	snop;
	(pc) =	sbr.rel .LBB2_16-.Ltmp12, $4  }
0x16d: {  	_ = 	snop  }
0x16e: {  	[spmem:s3] =	stream.indirect.scatter.add.f32 [tilespmem:s17], [sflag:$0x4], $0x10, s4, s31, $0xb8;
	[tilespmem:$0x1D320] =	vst v63  }
0x16f: {  	_ = 	snop  }
0x170: {  	[spmem:s3] =	stream.indirect.scatter.add.f32 [tilespmem:s19], [sflag:$0x4], $0x10, s9, s31, $0xb8;
	[tilespmem:$0x1D320] =	vst v63  }
.LBB2_18:
0x171: {  	_ =	sfence.sel $0x180000  }
0x172: {  	[bflag:$0x0] =	sbarrier.arrive $0xFFFF  }
0x173: {  	_ =	strace $0x90000047  }
0x174: {  	s0 =	stileid.u32;
	[bflag:$0x2] =	sbarrier.arrive $0xFFFF  }
0x175: {  	p0 =	sne.s32 s0, $0x0;
	s0 =	rddreg [dreg:$0x5]  }
0x176: {  	s0 =	sadd.s32 @!p0 $0x100000, s0  }
0x177: {  	[sflag:s0] =	ssyncadd.tile.s32 @!p0 $0x1;
	_ =	shalt  }
.Lfunc_end2:
_tile_overlayer_lowered:
.L_overlay_start_2:
0x178: {  	(tag) =	ssettag $0x2  }
0x179: {  	s0 =	rddreg [dreg:$0x0];
	s2 =	stileid.u32  }
0x17a: {  	s1 =	rddreg [dreg:$0x1];
	p0 =	sne.s32 s2, $0x0  }
0x17b: {  	s3 =	rddreg [dreg:$0x2];
	[bflag:$0x3] =	sbarrier.arrive $0xFFFF;
	s2 =	simm.s32 @!p0 $0x1C05  }
0x17c: {  	[timem:s3], [sflag:s2] =	dma.local @!p0 [hbm:s0], s1  }
0x17d: {  	s0 =	simm.s32 @!p0 $0x5  }
0x17e: {  	_ =	swait.ge @!p0 [sflag:s0], s1  }
0x17f: {  	s1 =	ssub.s32 @!p0 $0x0, s1;
	[sflag:s0] =	ssyncset.done @!p0 $0x0  }
0x180: {  	[sflag:s0] =	ssyncadd.s32 @!p0 s1  }
0x181: {  	[bflag:$0x3] =	sbarrier.arrive $0xFFFF  }
0x182: {  	_ =	shalt  }

</sc_bundles>
